<compile_context>
chip_gen: v7x
topology: tpu7x:2x2x1
jax: 0.10.2.dev20260603
libtpu: 0.0.44.dev20260713+nightly
codegen_flags: <defaults>
</compile_context>

<pallas_src>
import functools

import jax
import jax.numpy as jnp
from jax import lax
from jax.experimental import pallas as pl
from jax.experimental.pallas import tpu as pltpu
from jax.experimental.pallas import tpu_sc as plsc

N = 131072
G = 2048
NW = 32
C = N // NW
BN = 65536
GAMMA = 10000.0


def _tc_prep(pos_ref, attr_ref, wq_ref, mass_ref, v_ref, u_ref):
    dn = (((1,), (0,)), ((), ()))
    wq3 = wq_ref[:, :3]
    im8 = 1.0 / mass_ref[:, :8]
    v_ref[...] = jax.lax.dot_general(
        wq3, pos_ref[...], dn, preferred_element_type=jnp.float32).reshape(BN)
    u_ref[...] = jax.lax.dot_general(
        im8, attr_ref[...], dn, preferred_element_type=jnp.float32).reshape(BN)


def _sc_segment_sums(v, u, batch):
    mesh = plsc.VectorSubcoreMesh(core_axis_name="c", subcore_axis_name="s")

    @functools.partial(
        pl.kernel,
        out_type=[
            jax.ShapeDtypeStruct((NW, 16, 128), jnp.float32),
            jax.ShapeDtypeStruct((NW, 16, 128), jnp.float32),
        ],
        mesh=mesh,
        compiler_params=pltpu.CompilerParams(needs_layout_passes=False),
        scratch_types=[
            pltpu.VMEM((C,), jnp.float32),
            pltpu.VMEM((C,), jnp.float32),
            pltpu.VMEM((C + 16,), jnp.int32),
            pltpu.VMEM((16, 128), jnp.float32),
            pltpu.VMEM((16, 128), jnp.float32),
            pltpu.SemaphoreType.DMA,
        ],
    )
    def k(v_hbm, u_hbm, batch_hbm, out_s, out_r,
          v_v, u_v, batch_v, acc_s, acc_r, sem):
        cid = lax.axis_index("c")
        sid = lax.axis_index("s")
        wid = sid * 2 + cid
        base = wid * C

        cp1 = pltpu.async_copy(v_hbm.at[pl.ds(base, C)], v_v, sem)
        cp2 = pltpu.async_copy(u_hbm.at[pl.ds(base, C)], u_v, sem)
        cp3 = pltpu.async_copy(batch_hbm.at[pl.ds(base, C)], batch_v.at[pl.ds(0, C)], sem)

        lane = lax.iota(jnp.int32, 16)
        zeros16 = jnp.zeros((16,), jnp.float32)
        for rr in range(16):
            for cc in range(8):
                acc_s[rr, pl.ds(cc * 16, 16)] = zeros16
                acc_r[rr, pl.ds(cc * 16, 16)] = zeros16

        cp1.wait()
        cp2.wait()
        cp3.wait()

        batch_v[pl.ds(C, 16)] = plsc.load_gather(
            batch_v, [jnp.full((16,), C - 1, jnp.int32)])

        is15 = lane == 15

        def group(b16):
            idx = batch_v[pl.ds(b16, 16)]
            nxt = plsc.load_gather(batch_v, [lane + (b16 + 1)])
            cv = plsc.cumsum(v_v[pl.ds(b16, 16)])
            cu = plsc.cumsum(u_v[pl.ds(b16, 16)])
            bnd = idx != nxt
            mend = bnd | is15
            mneg = bnd & jnp.logical_not(is15)
            ri = idx >> 7
            ci = idx & 127
            rn = nxt >> 7
            cn = nxt & 127
            plsc.addupdate_scatter(acc_s, [ri, ci], cv, mask=mend)
            plsc.addupdate_scatter(acc_s, [rn, cn], -cv, mask=mneg)
            plsc.addupdate_scatter(acc_r, [ri, ci], cu, mask=mend)
            plsc.addupdate_scatter(acc_r, [rn, cn], -cu, mask=mneg)

        @plsc.parallel_loop(0, C // 16, step=1, unroll=8)
        def _loop(j):
            group(j * 16)

        cps = pltpu.async_copy(acc_s, out_s.at[wid], sem)
        cpr = pltpu.async_copy(acc_r, out_r.at[wid], sem)
        cps.wait()
        cpr.wait()

    return k(v, u, batch)


def _tc_final(s_ref, r_ref, w_ref, l_ref, wq_ref, o_loss, o_lv, o_la, o_lb):
    s = jnp.sum(s_ref[...], axis=0)
    r = jnp.sum(r_ref[...], axis=0)
    wq2 = jnp.sum(wq_ref[...] ** 2)
    q = 1.0 / (1.0 + jnp.exp(-s))
    dq = q * (1.0 - q)
    vals = dq * dq * wq2 * r * w_ref[...]
    lab = l_ref[...]
    mt = lab > 1
    ma = lab == 0
    mb = lab == 1
    nt = jnp.maximum(jnp.sum(mt.astype(jnp.float32)), 1.0)
    na = jnp.maximum(jnp.sum(ma.astype(jnp.float32)), 1.0)
    nb = jnp.maximum(jnp.sum(mb.astype(jnp.float32)), 1.0)
    lv = jnp.sum(jnp.where(mt, vals, 0.0)) / nt
    la = jnp.sum(jnp.where(ma, q * q, 0.0)) / na
    lb = jnp.sum(jnp.where(mb, (q - 1.0) ** 2, 0.0)) / nb
    lgv = jnp.log(lv)
    o_loss[0, 0] = lgv + GAMMA * (la + lb)
    o_lv[0, 0] = lgv
    o_la[0, 0] = GAMMA * la
    o_lb[0, 0] = GAMMA * lb


def kernel(positions, graph_labels, weight, node_attrs, batch, atomic_masses, w_q):
    batch_i = batch.astype(jnp.int32)
    mass128 = jnp.pad(atomic_masses.astype(jnp.float32), (0, 120),
                      constant_values=1.0).reshape(1, 128)
    wq128 = jnp.pad(w_q.astype(jnp.float32), (0, 125)).reshape(1, 128)

    nodes = jax.ShapeDtypeStruct((N,), jnp.float32)
    v, u = pl.pallas_call(
        _tc_prep,
        grid=(N // BN,),
        in_specs=[
            pl.BlockSpec((3, BN), lambda g: (0, g)),
            pl.BlockSpec((8, BN), lambda g: (0, g)),
            pl.BlockSpec((1, 128), lambda g: (0, 0)),
            pl.BlockSpec((1, 128), lambda g: (0, 0)),
        ],
        out_specs=[
            pl.BlockSpec((BN,), lambda g: (g,)),
            pl.BlockSpec((BN,), lambda g: (g,)),
        ],
        out_shape=[nodes, nodes],
    )(positions.T, node_attrs.T, wq128, mass128)

    s_part, r_part = _sc_segment_sums(v, u, batch_i)

    wgt2d = weight.astype(jnp.float32).reshape(16, 128)
    lab2d = graph_labels.astype(jnp.int32).reshape(16, 128)

    scalar = jax.ShapeDtypeStruct((1, 1), jnp.float32)
    outs = pl.pallas_call(
        _tc_final,
        out_shape=[scalar, scalar, scalar, scalar],
        out_specs=[pl.BlockSpec(memory_space=pltpu.SMEM)] * 4,
    )(s_part, r_part, wgt2d, lab2d, wq128)
    loss, lgv, la, lb = (o.reshape(()) for o in outs)
    return (loss, lgv, la, lb)

# --- scband reference (transcript-rebuilt; emitter-appended) ---
"""Pipeline reference for scband-graph-committor-loss-60155311948094 (READ-ONLY COPY).

The authoritative reference and input builder live on the scoring server;
editing this copy changes nothing except your own understanding.
"""

import jax, jax.numpy as jnp
import numpy as np

G = 2048
N = 131072
T = 8
ALPHA = 1.0
GAMMA = 10000.0
DELTA_F = 0.0


def setup_inputs(seed: int = 0) -> dict:
    key = jax.random.key(seed)
    ks = jax.random.split(key, 8)
    positions = jax.random.normal(ks[0], (N, 3), dtype=jnp.float32)
    graph_labels = jax.random.randint(ks[1], (G,), 0, 4)
    weight = jax.random.uniform(ks[2], (G,), dtype=jnp.float32) + 0.5
    types = jax.random.randint(ks[3], (N,), 0, T)
    node_attrs = jax.nn.one_hot(types, T, dtype=jnp.float32)
    batch = jnp.sort(jax.random.randint(ks[4], (N,), 0, G))
    atomic_masses = jnp.array([1.008, 12.011, 14.007, 15.999, 30.974, 32.06, 35.45, 55.845], dtype=jnp.float32)
    w_q = jax.random.normal(ks[5], (3,), dtype=jnp.float32) * 0.1
    return {"positions": positions, "graph_labels": graph_labels, "weight": weight,
            "node_attrs": node_attrs, "batch": batch, "atomic_masses": atomic_masses, "w_q": w_q}


def reference(positions, graph_labels, weight, node_attrs, batch, atomic_masses, w_q):
    labels = graph_labels.astype(jnp.int64) if graph_labels.dtype != jnp.int32 else graph_labels
    mask_a = labels == 0
    mask_b = labels == 1
    mask_t = labels > 1
    # delta_f == 0 -> no reweighting branch taken
    weights = weight

    # q(x): differentiable surrogate committor head mapping positions -> per-graph scalar
    def q_fn(pos):
        per_node = pos @ w_q                                   # [N]
        per_graph = jax.ops.segment_sum(per_node, batch, num_segments=G)
        return jax.nn.sigmoid(per_graph)[:, None]              # [G, 1]

    q, vjp_fn = jax.vjp(q_fn, positions)
    gradients = vjp_fn(jnp.ones_like(q))[0]                    # dq/dpositions, [N, 3]

    node_types = jax.lax.stop_gradient(jnp.argmax(node_attrs, axis=1))
    masses = atomic_masses[node_types][:, None]                # [N, 1]
    gradients_atomic = jnp.sum((gradients ** 2) / masses, axis=1, keepdims=True)  # [N, 1]
    gradients_batch = jax.ops.segment_sum(gradients_atomic, batch, num_segments=G)  # [G, 1]

    w = weights[:, None]
    vals = (gradients_batch * w)[:, 0]
    n_t = jnp.maximum(jnp.sum(mask_t), 1)
    n_a = jnp.maximum(jnp.sum(mask_a), 1)
    n_b = jnp.maximum(jnp.sum(mask_b), 1)
    loss_v = jnp.sum(jnp.where(mask_t, vals, 0.0)) / n_t
    qa = q[:, 0]
    loss_a = jnp.sum(jnp.where(mask_a, qa ** 2, 0.0)) / n_a
    loss_b = jnp.sum(jnp.where(mask_b, (qa - 1.0) ** 2, 0.0)) / n_b
    loss = jnp.log(loss_v) + GAMMA * (ALPHA * (loss_a + loss_b))
    return (loss, jnp.log(loss_v), ALPHA * GAMMA * loss_a, ALPHA * GAMMA * loss_b)

if __name__ == "__main__":
    import jax
    _d = setup_inputs()
    print(jax.jit(kernel)(*tuple(_d.values())))

</pallas_src>

<mosaic_0001>
#map = affine_map<(d0, d1) -> (0)>
#map1 = affine_map<(d0, d1) -> (0, 0, 0)>
module attributes {stable_mosaic.version = 14 : i64} {
  func.func @k(%arg0: i32, %arg1: i32, %arg2: memref<131072xf32, #tpu.memory_space<hbm>>, %arg3: memref<131072xf32, #tpu.memory_space<hbm>>, %arg4: memref<131072xi32, #tpu.memory_space<hbm>>, %arg5: memref<32x16x128xf32, #tpu.memory_space<hbm>>, %arg6: memref<32x16x128xf32, #tpu.memory_space<hbm>>, %arg7: memref<4096xf32, #tpu.memory_space<vmem>>, %arg8: memref<4096xf32, #tpu.memory_space<vmem>>, %arg9: memref<4112xi32, #tpu.memory_space<vmem>>, %arg10: memref<16x128xf32, #tpu.memory_space<vmem>>, %arg11: memref<16x128xf32, #tpu.memory_space<vmem>>, %arg12: memref<!tpu.dma_semaphore, #tpu.memory_space<semaphore_mem>>) attributes {dimension_semantics = [#tpu.dimension_semantics<core_parallel>, #tpu.dimension_semantics<subcore_parallel>], iteration_bounds = array<i64: 2, 16>, scalar_prefetch = 0 : i64, scratch_operands = 6 : i64, tpu.core_type = #tpu.core_type<sc_vector_subcore>, window_params = [{transform_indices = #map}, {transform_indices = #map}, {transform_indices = #map}, {transform_indices = #map1}, {transform_indices = #map1}]} {
    %mul3A = arith.constant 2 : i32
    %mul3A_0 = arith.muli %arg1, %mul3A : i32
    %add3A = arith.addi %mul3A_0, %arg0 : i32
    %mul3A_1 = arith.constant 4096 : i32
    %mul3A_2 = arith.muli %add3A, %mul3A_1 : i32
    %dma_start3A = tpu.memref_slice %arg2[%mul3A_2] : memref<131072xf32, #tpu.memory_space<hbm>> -> memref<4096xf32, #tpu.memory_space<hbm>>
    %dma_start3A_3 = tpu.memref_slice %arg2[%mul3A_2] : memref<131072xf32, #tpu.memory_space<hbm>> -> memref<4096xf32, #tpu.memory_space<hbm>>
    tpu.enqueue_dma source(%dma_start3A_3 : memref<4096xf32, #tpu.memory_space<hbm>>) target(%arg7 : memref<4096xf32, #tpu.memory_space<vmem>>) target_semaphore(%arg12 : memref<!tpu.dma_semaphore, #tpu.memory_space<semaphore_mem>>)
    %dma_start3A_4 = tpu.memref_slice %arg3[%mul3A_2] : memref<131072xf32, #tpu.memory_space<hbm>> -> memref<4096xf32, #tpu.memory_space<hbm>>
    %dma_start3A_5 = tpu.memref_slice %arg3[%mul3A_2] : memref<131072xf32, #tpu.memory_space<hbm>> -> memref<4096xf32, #tpu.memory_space<hbm>>
    tpu.enqueue_dma source(%dma_start3A_5 : memref<4096xf32, #tpu.memory_space<hbm>>) target(%arg8 : memref<4096xf32, #tpu.memory_space<vmem>>) target_semaphore(%arg12 : memref<!tpu.dma_semaphore, #tpu.memory_space<semaphore_mem>>)
    %dma_start3A_6 = arith.constant 0 : i32
    %dma_start3A_7 = tpu.memref_slice %arg9[%dma_start3A_6] : memref<4112xi32, #tpu.memory_space<vmem>> -> memref<4096xi32, #tpu.memory_space<vmem>>
    %dma_start3A_8 = tpu.memref_slice %arg4[%mul3A_2] : memref<131072xi32, #tpu.memory_space<hbm>> -> memref<4096xi32, #tpu.memory_space<hbm>>
    %dma_start3A_9 = arith.constant 0 : i32
    %dma_start3A_10 = tpu.memref_slice %arg9[%dma_start3A_9] : memref<4112xi32, #tpu.memory_space<vmem>> -> memref<4096xi32, #tpu.memory_space<vmem>>
    %dma_start3A_11 = tpu.memref_slice %arg4[%mul3A_2] : memref<131072xi32, #tpu.memory_space<hbm>> -> memref<4096xi32, #tpu.memory_space<hbm>>
    tpu.enqueue_dma source(%dma_start3A_11 : memref<4096xi32, #tpu.memory_space<hbm>>) target(%dma_start3A_10 : memref<4096xi32, #tpu.memory_space<vmem>>) target_semaphore(%arg12 : memref<!tpu.dma_semaphore, #tpu.memory_space<semaphore_mem>>)
    %iota3A = tpu.iota {dimensions = array<i32: 0>} : vector<16xi32>
    %broadcast_in_dim3A = arith.constant 0.000000e+00 : f32
    %broadcast_in_dim3A_12 = vector.broadcast %broadcast_in_dim3A : f32 to vector<16xf32>
    %swap3A = arith.constant 0 : i32
    %swap3A_13 = arith.index_cast %swap3A : i32 to index
    %swap3A_14 = arith.constant 0 : index
    %swap3A_15 = tpu.vector_load %arg10[%swap3A_13, %swap3A_14] {strides = array<i32>} : memref<16x128xf32, #tpu.memory_space<vmem>>, vector<16xf32>,
    tpu.vector_store %arg10[%swap3A_13, %swap3A_14], %broadcast_in_dim3A_12 {strides = array<i32>} : memref<16x128xf32, #tpu.memory_space<vmem>>, vector<16xf32>,
    %swap3A_16 = arith.constant 0 : i32
    %swap3A_17 = arith.index_cast %swap3A_16 : i32 to index
    %swap3A_18 = arith.constant 0 : index
    %swap3A_19 = tpu.vector_load %arg11[%swap3A_17, %swap3A_18] {strides = array<i32>} : memref<16x128xf32, #tpu.memory_space<vmem>>, vector<16xf32>,
    tpu.vector_store %arg11[%swap3A_17, %swap3A_18], %broadcast_in_dim3A_12 {strides = array<i32>} : memref<16x128xf32, #tpu.memory_space<vmem>>, vector<16xf32>,
    %swap3A_20 = arith.constant 0 : i32
    %swap3A_21 = arith.index_cast %swap3A_20 : i32 to index
    %swap3A_22 = arith.constant 16 : index
    %swap3A_23 = tpu.vector_load %arg10[%swap3A_21, %swap3A_22] {strides = array<i32>} : memref<16x128xf32, #tpu.memory_space<vmem>>, vector<16xf32>,
    tpu.vector_store %arg10[%swap3A_21, %swap3A_22], %broadcast_in_dim3A_12 {strides = array<i32>} : memref<16x128xf32, #tpu.memory_space<vmem>>, vector<16xf32>,
    %swap3A_24 = arith.constant 0 : i32
    %swap3A_25 = arith.index_cast %swap3A_24 : i32 to index
    %swap3A_26 = arith.constant 16 : index
    %swap3A_27 = tpu.vector_load %arg11[%swap3A_25, %swap3A_26] {strides = array<i32>} : memref<16x128xf32, #tpu.memory_space<vmem>>, vector<16xf32>,
    tpu.vector_store %arg11[%swap3A_25, %swap3A_26], %broadcast_in_dim3A_12 {strides = array<i32>} : memref<16x128xf32, #tpu.memory_space<vmem>>, vector<16xf32>,
    %swap3A_28 = arith.constant 0 : i32
    %swap3A_29 = arith.index_cast %swap3A_28 : i32 to index
    %swap3A_30 = arith.constant 32 : index
    %swap3A_31 = tpu.vector_load %arg10[%swap3A_29, %swap3A_30] {strides = array<i32>} : memref<16x128xf32, #tpu.memory_space<vmem>>, vector<16xf32>,
    tpu.vector_store %arg10[%swap3A_29, %swap3A_30], %broadcast_in_dim3A_12 {strides = array<i32>} : memref<16x128xf32, #tpu.memory_space<vmem>>, vector<16xf32>,
    %swap3A_32 = arith.constant 0 : i32
    %swap3A_33 = arith.index_cast %swap3A_32 : i32 to index
    %swap3A_34 = arith.constant 32 : index
    %swap3A_35 = tpu.vector_load %arg11[%swap3A_33, %swap3A_34] {strides = array<i32>} : memref<16x128xf32, #tpu.memory_space<vmem>>, vector<16xf32>,
    tpu.vector_store %arg11[%swap3A_33, %swap3A_34], %broadcast_in_dim3A_12 {strides = array<i32>} : memref<16x128xf32, #tpu.memory_space<vmem>>, vector<16xf32>,
    %swap3A_36 = arith.constant 0 : i32
    %swap3A_37 = arith.index_cast %swap3A_36 : i32 to index
    %swap3A_38 = arith.constant 48 : index
    %swap3A_39 = tpu.vector_load %arg10[%swap3A_37, %swap3A_38] {strides = array<i32>} : memref<16x128xf32, #tpu.memory_space<vmem>>, vector<16xf32>,
    tpu.vector_store %arg10[%swap3A_37, %swap3A_38], %broadcast_in_dim3A_12 {strides = array<i32>} : memref<16x128xf32, #tpu.memory_space<vmem>>, vector<16xf32>,
    %swap3A_40 = arith.constant 0 : i32
    %swap3A_41 = arith.index_cast %swap3A_40 : i32 to index
    %swap3A_42 = arith.constant 48 : index
    %swap3A_43 = tpu.vector_load %arg11[%swap3A_41, %swap3A_42] {strides = array<i32>} : memref<16x128xf32, #tpu.memory_space<vmem>>, vector<16xf32>,
    tpu.vector_store %arg11[%swap3A_41, %swap3A_42], %broadcast_in_dim3A_12 {strides = array<i32>} : memref<16x128xf32, #tpu.memory_space<vmem>>, vector<16xf32>,
    %swap3A_44 = arith.constant 0 : i32
    %swap3A_45 = arith.index_cast %swap3A_44 : i32 to index
    %swap3A_46 = arith.constant 64 : index
    %swap3A_47 = tpu.vector_load %arg10[%swap3A_45, %swap3A_46] {strides = array<i32>} : memref<16x128xf32, #tpu.memory_space<vmem>>, vector<16xf32>,
    tpu.vector_store %arg10[%swap3A_45, %swap3A_46], %broadcast_in_dim3A_12 {strides = array<i32>} : memref<16x128xf32, #tpu.memory_space<vmem>>, vector<16xf32>,
    %swap3A_48 = arith.constant 0 : i32
    %swap3A_49 = arith.index_cast %swap3A_48 : i32 to index
    %swap3A_50 = arith.constant 64 : index
    %swap3A_51 = tpu.vector_load %arg11[%swap3A_49, %swap3A_50] {strides = array<i32>} : memref<16x128xf32, #tpu.memory_space<vmem>>, vector<16xf32>,
    tpu.vector_store %arg11[%swap3A_49, %swap3A_50], %broadcast_in_dim3A_12 {strides = array<i32>} : memref<16x128xf32, #tpu.memory_space<vmem>>, vector<16xf32>,
    %swap3A_52 = arith.constant 0 : i32
    %swap3A_53 = arith.index_cast %swap3A_52 : i32 to index
    %swap3A_54 = arith.constant 80 : index
    %swap3A_55 = tpu.vector_load %arg10[%swap3A_53, %swap3A_54] {strides = array<i32>} : memref<16x128xf32, #tpu.memory_space<vmem>>, vector<16xf32>,
    tpu.vector_store %arg10[%swap3A_53, %swap3A_54], %broadcast_in_dim3A_12 {strides = array<i32>} : memref<16x128xf32, #tpu.memory_space<vmem>>, vector<16xf32>,
    %swap3A_56 = arith.constant 0 : i32
    %swap3A_57 = arith.index_cast %swap3A_56 : i32 to index
    %swap3A_58 = arith.constant 80 : index
    %swap3A_59 = tpu.vector_load %arg11[%swap3A_57, %swap3A_58] {strides = array<i32>} : memref<16x128xf32, #tpu.memory_space<vmem>>, vector<16xf32>,
    tpu.vector_store %arg11[%swap3A_57, %swap3A_58], %broadcast_in_dim3A_12 {strides = array<i32>} : memref<16x128xf32, #tpu.memory_space<vmem>>, vector<16xf32>,
    %swap3A_60 = arith.constant 0 : i32
    %swap3A_61 = arith.index_cast %swap3A_60 : i32 to index
    %swap3A_62 = arith.constant 96 : index
    %swap3A_63 = tpu.vector_load %arg10[%swap3A_61, %swap3A_62] {strides = array<i32>} : memref<16x128xf32, #tpu.memory_space<vmem>>, vector<16xf32>,
    tpu.vector_store %arg10[%swap3A_61, %swap3A_62], %broadcast_in_dim3A_12 {strides = array<i32>} : memref<16x128xf32, #tpu.memory_space<vmem>>, vector<16xf32>,
    %swap3A_64 = arith.constant 0 : i32
    %swap3A_65 = arith.index_cast %swap3A_64 : i32 to index
    %swap3A_66 = arith.constant 96 : index
    %swap3A_67 = tpu.vector_load %arg11[%swap3A_65, %swap3A_66] {strides = array<i32>} : memref<16x128xf32, #tpu.memory_space<vmem>>, vector<16xf32>,
    tpu.vector_store %arg11[%swap3A_65, %swap3A_66], %broadcast_in_dim3A_12 {strides = array<i32>} : memref<16x128xf32, #tpu.memory_space<vmem>>, vector<16xf32>,
    %swap3A_68 = arith.constant 0 : i32
    %swap3A_69 = arith.index_cast %swap3A_68 : i32 to index
    %swap3A_70 = arith.constant 112 : index
    %swap3A_71 = tpu.vector_load %arg10[%swap3A_69, %swap3A_70] {strides = array<i32>} : memref<16x128xf32, #tpu.memory_space<vmem>>, vector<16xf32>,
    tpu.vector_store %arg10[%swap3A_69, %swap3A_70], %broadcast_in_dim3A_12 {strides = array<i32>} : memref<16x128xf32, #tpu.memory_space<vmem>>, vector<16xf32>,
    %swap3A_72 = arith.constant 0 : i32
    %swap3A_73 = arith.index_cast %swap3A_72 : i32 to index
    %swap3A_74 = arith.constant 112 : index
    %swap3A_75 = tpu.vector_load %arg11[%swap3A_73, %swap3A_74] {strides = array<i32>} : memref<16x128xf32, #tpu.memory_space<vmem>>, vector<16xf32>,
    tpu.vector_store %arg11[%swap3A_73, %swap3A_74], %broadcast_in_dim3A_12 {strides = array<i32>} : memref<16x128xf32, #tpu.memory_space<vmem>>, vector<16xf32>,
    %swap3A_76 = arith.constant 1 : i32
    %swap3A_77 = arith.index_cast %swap3A_76 : i32 to index
    %swap3A_78 = arith.constant 0 : index
    %swap3A_79 = tpu.vector_load %arg10[%swap3A_77, %swap3A_78] {strides = array<i32>} : memref<16x128xf32, #tpu.memory_space<vmem>>, vector<16xf32>,
    tpu.vector_store %arg10[%swap3A_77, %swap3A_78], %broadcast_in_dim3A_12 {strides = array<i32>} : memref<16x128xf32, #tpu.memory_space<vmem>>, vector<16xf32>,
    %swap3A_80 = arith.constant 1 : i32
    %swap3A_81 = arith.index_cast %swap3A_80 : i32 to index
    %swap3A_82 = arith.constant 0 : index
    %swap3A_83 = tpu.vector_load %arg11[%swap3A_81, %swap3A_82] {strides = array<i32>} : memref<16x128xf32, #tpu.memory_space<vmem>>, vector<16xf32>,
    tpu.vector_store %arg11[%swap3A_81, %swap3A_82], %broadcast_in_dim3A_12 {strides = array<i32>} : memref<16x128xf32, #tpu.memory_space<vmem>>, vector<16xf32>,
    %swap3A_84 = arith.constant 1 : i32
    %swap3A_85 = arith.index_cast %swap3A_84 : i32 to index
    %swap3A_86 = arith.constant 16 : index
    %swap3A_87 = tpu.vector_load %arg10[%swap3A_85, %swap3A_86] {strides = array<i32>} : memref<16x128xf32, #tpu.memory_space<vmem>>, vector<16xf32>,
    tpu.vector_store %arg10[%swap3A_85, %swap3A_86], %broadcast_in_dim3A_12 {strides = array<i32>} : memref<16x128xf32, #tpu.memory_space<vmem>>, vector<16xf32>,
    %swap3A_88 = arith.constant 1 : i32
    %swap3A_89 = arith.index_cast %swap3A_88 : i32 to index
    %swap3A_90 = arith.constant 16 : index
    %swap3A_91 = tpu.vector_load %arg11[%swap3A_89, %swap3A_90] {strides = array<i32>} : memref<16x128xf32, #tpu.memory_space<vmem>>, vector<16xf32>,
    tpu.vector_store %arg11[%swap3A_89, %swap3A_90], %broadcast_in_dim3A_12 {strides = array<i32>} : memref<16x128xf32, #tpu.memory_space<vmem>>, vector<16xf32>,
    %swap3A_92 = arith.constant 1 : i32
    %swap3A_93 = arith.index_cast %swap3A_92 : i32 to index
    %swap3A_94 = arith.constant 32 : index
    %swap3A_95 = tpu.vector_load %arg10[%swap3A_93, %swap3A_94] {strides = array<i32>} : memref<16x128xf32, #tpu.memory_space<vmem>>, vector<16xf32>,
    tpu.vector_store %arg10[%swap3A_93, %swap3A_94], %broadcast_in_dim3A_12 {strides = array<i32>} : memref<16x128xf32, #tpu.memory_space<vmem>>, vector<16xf32>,
    %swap3A_96 = arith.constant 1 : i32
    %swap3A_97 = arith.index_cast %swap3A_96 : i32 to index
    %swap3A_98 = arith.constant 32 : index
    %swap3A_99 = tpu.vector_load %arg11[%swap3A_97, %swap3A_98] {strides = array<i32>} : memref<16x128xf32, #tpu.memory_space<vmem>>, vector<16xf32>,
    tpu.vector_store %arg11[%swap3A_97, %swap3A_98], %broadcast_in_dim3A_12 {strides = array<i32>} : memref<16x128xf32, #tpu.memory_space<vmem>>, vector<16xf32>,
    %swap3A_100 = arith.constant 1 : i32
    %swap3A_101 = arith.index_cast %swap3A_100 : i32 to index
    %swap3A_102 = arith.constant 48 : index
    %swap3A_103 = tpu.vector_load %arg10[%swap3A_101, %swap3A_102] {strides = array<i32>} : memref<16x128xf32, #tpu.memory_space<vmem>>, vector<16xf32>,
    tpu.vector_store %arg10[%swap3A_101, %swap3A_102], %broadcast_in_dim3A_12 {strides = array<i32>} : memref<16x128xf32, #tpu.memory_space<vmem>>, vector<16xf32>,
    %swap3A_104 = arith.constant 1 : i32
    %swap3A_105 = arith.index_cast %swap3A_104 : i32 to index
    %swap3A_106 = arith.constant 48 : index
    %swap3A_107 = tpu.vector_load %arg11[%swap3A_105, %swap3A_106] {strides = array<i32>} : memref<16x128xf32, #tpu.memory_space<vmem>>, vector<16xf32>,
    tpu.vector_store %arg11[%swap3A_105, %swap3A_106], %broadcast_in_dim3A_12 {strides = array<i32>} : memref<16x128xf32, #tpu.memory_space<vmem>>, vector<16xf32>,
    %swap3A_108 = arith.constant 1 : i32
    %swap3A_109 = arith.index_cast %swap3A_108 : i32 to index
    %swap3A_110 = arith.constant 64 : index
    %swap3A_111 = tpu.vector_load %arg10[%swap3A_109, %swap3A_110] {strides = array<i32>} : memref<16x128xf32, #tpu.memory_space<vmem>>, vector<16xf32>,
    tpu.vector_store %arg10[%swap3A_109, %swap3A_110], %broadcast_in_dim3A_12 {strides = array<i32>} : memref<16x128xf32, #tpu.memory_space<vmem>>, vector<16xf32>,
    %swap3A_112 = arith.constant 1 : i32
    %swap3A_113 = arith.index_cast %swap3A_112 : i32 to index
    %swap3A_114 = arith.constant 64 : index
    %swap3A_115 = tpu.vector_load %arg11[%swap3A_113, %swap3A_114] {strides = array<i32>} : memref<16x128xf32, #tpu.memory_space<vmem>>, vector<16xf32>,
    tpu.vector_store %arg11[%swap3A_113, %swap3A_114], %broadcast_in_dim3A_12 {strides = array<i32>} : memref<16x128xf32, #tpu.memory_space<vmem>>, vector<16xf32>,
    %swap3A_116 = arith.constant 1 : i32
    %swap3A_117 = arith.index_cast %swap3A_116 : i32 to index
    %swap3A_118 = arith.constant 80 : index
    %swap3A_119 = tpu.vector_load %arg10[%swap3A_117, %swap3A_118] {strides = array<i32>} : memref<16x128xf32, #tpu.memory_space<vmem>>, vector<16xf32>,
    tpu.vector_store %arg10[%swap3A_117, %swap3A_118], %broadcast_in_dim3A_12 {strides = array<i32>} : memref<16x128xf32, #tpu.memory_space<vmem>>, vector<16xf32>,
    %swap3A_120 = arith.constant 1 : i32
    %swap3A_121 = arith.index_cast %swap3A_120 : i32 to index
    %swap3A_122 = arith.constant 80 : index
    %swap3A_123 = tpu.vector_load %arg11[%swap3A_121, %swap3A_122] {strides = array<i32>} : memref<16x128xf32, #tpu.memory_space<vmem>>, vector<16xf32>,
    tpu.vector_store %arg11[%swap3A_121, %swap3A_122], %broadcast_in_dim3A_12 {strides = array<i32>} : memref<16x128xf32, #tpu.memory_space<vmem>>, vector<16xf32>,
    %swap3A_124 = arith.constant 1 : i32
    %swap3A_125 = arith.index_cast %swap3A_124 : i32 to index
    %swap3A_126 = arith.constant 96 : index
    %swap3A_127 = tpu.vector_load %arg10[%swap3A_125, %swap3A_126] {strides = array<i32>} : memref<16x128xf32, #tpu.memory_space<vmem>>, vector<16xf32>,
    tpu.vector_store %arg10[%swap3A_125, %swap3A_126], %broadcast_in_dim3A_12 {strides = array<i32>} : memref<16x128xf32, #tpu.memory_space<vmem>>, vector<16xf32>,
    %swap3A_128 = arith.constant 1 : i32
    %swap3A_129 = arith.index_cast %swap3A_128 : i32 to index
    %swap3A_130 = arith.constant 96 : index
    %swap3A_131 = tpu.vector_load %arg11[%swap3A_129, %swap3A_130] {strides = array<i32>} : memref<16x128xf32, #tpu.memory_space<vmem>>, vector<16xf32>,
    tpu.vector_store %arg11[%swap3A_129, %swap3A_130], %broadcast_in_dim3A_12 {strides = array<i32>} : memref<16x128xf32, #tpu.memory_space<vmem>>, vector<16xf32>,
    %swap3A_132 = arith.constant 1 : i32
    %swap3A_133 = arith.index_cast %swap3A_132 : i32 to index
    %swap3A_134 = arith.constant 112 : index
    %swap3A_135 = tpu.vector_load %arg10[%swap3A_133, %swap3A_134] {strides = array<i32>} : memref<16x128xf32, #tpu.memory_space<vmem>>, vector<16xf32>,
    tpu.vector_store %arg10[%swap3A_133, %swap3A_134], %broadcast_in_dim3A_12 {strides = array<i32>} : memref<16x128xf32, #tpu.memory_space<vmem>>, vector<16xf32>,
    %swap3A_136 = arith.constant 1 : i32
    %swap3A_137 = arith.index_cast %swap3A_136 : i32 to index
    %swap3A_138 = arith.constant 112 : index
    %swap3A_139 = tpu.vector_load %arg11[%swap3A_137, %swap3A_138] {strides = array<i32>} : memref<16x128xf32, #tpu.memory_space<vmem>>, vector<16xf32>,
    tpu.vector_store %arg11[%swap3A_137, %swap3A_138], %broadcast_in_dim3A_12 {strides = array<i32>} : memref<16x128xf32, #tpu.memory_space<vmem>>, vector<16xf32>,
    %swap3A_140 = arith.constant 2 : i32
    %swap3A_141 = arith.index_cast %swap3A_140 : i32 to index
    %swap3A_142 = arith.constant 0 : index
    %swap3A_143 = tpu.vector_load %arg10[%swap3A_141, %swap3A_142] {strides = array<i32>} : memref<16x128xf32, #tpu.memory_space<vmem>>, vector<16xf32>,
    tpu.vector_store %arg10[%swap3A_141, %swap3A_142], %broadcast_in_dim3A_12 {strides = array<i32>} : memref<16x128xf32, #tpu.memory_space<vmem>>, vector<16xf32>,
    %swap3A_144 = arith.constant 2 : i32
    %swap3A_145 = arith.index_cast %swap3A_144 : i32 to index
    %swap3A_146 = arith.constant 0 : index
    %swap3A_147 = tpu.vector_load %arg11[%swap3A_145, %swap3A_146] {strides = array<i32>} : memref<16x128xf32, #tpu.memory_space<vmem>>, vector<16xf32>,
    tpu.vector_store %arg11[%swap3A_145, %swap3A_146], %broadcast_in_dim3A_12 {strides = array<i32>} : memref<16x128xf32, #tpu.memory_space<vmem>>, vector<16xf32>,
    %swap3A_148 = arith.constant 2 : i32
    %swap3A_149 = arith.index_cast %swap3A_148 : i32 to index
    %swap3A_150 = arith.constant 16 : index
    %swap3A_151 = tpu.vector_load %arg10[%swap3A_149, %swap3A_150] {strides = array<i32>} : memref<16x128xf32, #tpu.memory_space<vmem>>, vector<16xf32>,
    tpu.vector_store %arg10[%swap3A_149, %swap3A_150], %broadcast_in_dim3A_12 {strides = array<i32>} : memref<16x128xf32, #tpu.memory_space<vmem>>, vector<16xf32>,
    %swap3A_152 = arith.constant 2 : i32
    %swap3A_153 = arith.index_cast %swap3A_152 : i32 to index
    %swap3A_154 = arith.constant 16 : index
    %swap3A_155 = tpu.vector_load %arg11[%swap3A_153, %swap3A_154] {strides = array<i32>} : memref<16x128xf32, #tpu.memory_space<vmem>>, vector<16xf32>,
    tpu.vector_store %arg11[%swap3A_153, %swap3A_154], %broadcast_in_dim3A_12 {strides = array<i32>} : memref<16x128xf32, #tpu.memory_space<vmem>>, vector<16xf32>,
    %swap3A_156 = arith.constant 2 : i32
    %swap3A_157 = arith.index_cast %swap3A_156 : i32 to index
    %swap3A_158 = arith.constant 32 : index
    %swap3A_159 = tpu.vector_load %arg10[%swap3A_157, %swap3A_158] {strides = array<i32>} : memref<16x128xf32, #tpu.memory_space<vmem>>, vector<16xf32>,
    tpu.vector_store %arg10[%swap3A_157, %swap3A_158], %broadcast_in_dim3A_12 {strides = array<i32>} : memref<16x128xf32, #tpu.memory_space<vmem>>, vector<16xf32>,
    %swap3A_160 = arith.constant 2 : i32
    %swap3A_161 = arith.index_cast %swap3A_160 : i32 to index
    %swap3A_162 = arith.constant 32 : index
    %swap3A_163 = tpu.vector_load %arg11[%swap3A_161, %swap3A_162] {strides = array<i32>} : memref<16x128xf32, #tpu.memory_space<vmem>>, vector<16xf32>,
    tpu.vector_store %arg11[%swap3A_161, %swap3A_162], %broadcast_in_dim3A_12 {strides = array<i32>} : memref<16x128xf32, #tpu.memory_space<vmem>>, vector<16xf32>,
    %swap3A_164 = arith.constant 2 : i32
    %swap3A_165 = arith.index_cast %swap3A_164 : i32 to index
    %swap3A_166 = arith.constant 48 : index
    %swap3A_167 = tpu.vector_load %arg10[%swap3A_165, %swap3A_166] {strides = array<i32>} : memref<16x128xf32, #tpu.memory_space<vmem>>, vector<16xf32>,
    tpu.vector_store %arg10[%swap3A_165, %swap3A_166], %broadcast_in_dim3A_12 {strides = array<i32>} : memref<16x128xf32, #tpu.memory_space<vmem>>, vector<16xf32>,
    %swap3A_168 = arith.constant 2 : i32
    %swap3A_169 = arith.index_cast %swap3A_168 : i32 to index
    %swap3A_170 = arith.constant 48 : index
    %swap3A_171 = tpu.vector_load %arg11[%swap3A_169, %swap3A_170] {strides = array<i32>} : memref<16x128xf32, #tpu.memory_space<vmem>>, vector<16xf32>,
    tpu.vector_store %arg11[%swap3A_169, %swap3A_170], %broadcast_in_dim3A_12 {strides = array<i32>} : memref<16x128xf32, #tpu.memory_space<vmem>>, vector<16xf32>,
    %swap3A_172 = arith.constant 2 : i32
    %swap3A_173 = arith.index_cast %swap3A_172 : i32 to index
    %swap3A_174 = arith.constant 64 : index
    %swap3A_175 = tpu.vector_load %arg10[%swap3A_173, %swap3A_174] {strides = array<i32>} : memref<16x128xf32, #tpu.memory_space<vmem>>, vector<16xf32>,
    tpu.vector_store %arg10[%swap3A_173, %swap3A_174], %broadcast_in_dim3A_12 {strides = array<i32>} : memref<16x128xf32, #tpu.memory_space<vmem>>, vector<16xf32>,
    %swap3A_176 = arith.constant 2 : i32
    %swap3A_177 = arith.index_cast %swap3A_176 : i32 to index
    %swap3A_178 = arith.constant 64 : index
    %swap3A_179 = tpu.vector_load %arg11[%swap3A_177, %swap3A_178] {strides = array<i32>} : memref<16x128xf32, #tpu.memory_space<vmem>>, vector<16xf32>,
    tpu.vector_store %arg11[%swap3A_177, %swap3A_178], %broadcast_in_dim3A_12 {strides = array<i32>} : memref<16x128xf32, #tpu.memory_space<vmem>>, vector<16xf32>,
    %swap3A_180 = arith.constant 2 : i32
    %swap3A_181 = arith.index_cast %swap3A_180 : i32 to index
    %swap3A_182 = arith.constant 80 : index
    %swap3A_183 = tpu.vector_load %arg10[%swap3A_181, %swap3A_182] {strides = array<i32>} : memref<16x128xf32, #tpu.memory_space<vmem>>, vector<16xf32>,
    tpu.vector_store %arg10[%swap3A_181, %swap3A_182], %broadcast_in_dim3A_12 {strides = array<i32>} : memref<16x128xf32, #tpu.memory_space<vmem>>, vector<16xf32>,
    %swap3A_184 = arith.constant 2 : i32
    %swap3A_185 = arith.index_cast %swap3A_184 : i32 to index
    %swap3A_186 = arith.constant 80 : index
    %swap3A_187 = tpu.vector_load %arg11[%swap3A_185, %swap3A_186] {strides = array<i32>} : memref<16x128xf32, #tpu.memory_space<vmem>>, vector<16xf32>,
    tpu.vector_store %arg11[%swap3A_185, %swap3A_186], %broadcast_in_dim3A_12 {strides = array<i32>} : memref<16x128xf32, #tpu.memory_space<vmem>>, vector<16xf32>,
    %swap3A_188 = arith.constant 2 : i32
    %swap3A_189 = arith.index_cast %swap3A_188 : i32 to index
    %swap3A_190 = arith.constant 96 : index
    %swap3A_191 = tpu.vector_load %arg10[%swap3A_189, %swap3A_190] {strides = array<i32>} : memref<16x128xf32, #tpu.memory_space<vmem>>, vector<16xf32>,
    tpu.vector_store %arg10[%swap3A_189, %swap3A_190], %broadcast_in_dim3A_12 {strides = array<i32>} : memref<16x128xf32, #tpu.memory_space<vmem>>, vector<16xf32>,
    %swap3A_192 = arith.constant 2 : i32
    %swap3A_193 = arith.index_cast %swap3A_192 : i32 to index
    %swap3A_194 = arith.constant 96 : index
    %swap3A_195 = tpu.vector_load %arg11[%swap3A_193, %swap3A_194] {strides = array<i32>} : memref<16x128xf32, #tpu.memory_space<vmem>>, vector<16xf32>,
    tpu.vector_store %arg11[%swap3A_193, %swap3A_194], %broadcast_in_dim3A_12 {strides = array<i32>} : memref<16x128xf32, #tpu.memory_space<vmem>>, vector<16xf32>,
    %swap3A_196 = arith.constant 2 : i32
    %swap3A_197 = arith.index_cast %swap3A_196 : i32 to index
    %swap3A_198 = arith.constant 112 : index
    %swap3A_199 = tpu.vector_load %arg10[%swap3A_197, %swap3A_198] {strides = array<i32>} : memref<16x128xf32, #tpu.memory_space<vmem>>, vector<16xf32>,
    tpu.vector_store %arg10[%swap3A_197, %swap3A_198], %broadcast_in_dim3A_12 {strides = array<i32>} : memref<16x128xf32, #tpu.memory_space<vmem>>, vector<16xf32>,
    %swap3A_200 = arith.constant 2 : i32
    %swap3A_201 = arith.index_cast %swap3A_200 : i32 to index
    %swap3A_202 = arith.constant 112 : index
    %swap3A_203 = tpu.vector_load %arg11[%swap3A_201, %swap3A_202] {strides = array<i32>} : memref<16x128xf32, #tpu.memory_space<vmem>>, vector<16xf32>,
    tpu.vector_store %arg11[%swap3A_201, %swap3A_202], %broadcast_in_dim3A_12 {strides = array<i32>} : memref<16x128xf32, #tpu.memory_space<vmem>>, vector<16xf32>,
    %swap3A_204 = arith.constant 3 : i32
    %swap3A_205 = arith.index_cast %swap3A_204 : i32 to index
    %swap3A_206 = arith.constant 0 : index
    %swap3A_207 = tpu.vector_load %arg10[%swap3A_205, %swap3A_206] {strides = array<i32>} : memref<16x128xf32, #tpu.memory_space<vmem>>, vector<16xf32>,
    tpu.vector_store %arg10[%swap3A_205, %swap3A_206], %broadcast_in_dim3A_12 {strides = array<i32>} : memref<16x128xf32, #tpu.memory_space<vmem>>, vector<16xf32>,
    %swap3A_208 = arith.constant 3 : i32
    %swap3A_209 = arith.index_cast %swap3A_208 : i32 to index
    %swap3A_210 = arith.constant 0 : index
    %swap3A_211 = tpu.vector_load %arg11[%swap3A_209, %swap3A_210] {strides = array<i32>} : memref<16x128xf32, #tpu.memory_space<vmem>>, vector<16xf32>,
    tpu.vector_store %arg11[%swap3A_209, %swap3A_210], %broadcast_in_dim3A_12 {strides = array<i32>} : memref<16x128xf32, #tpu.memory_space<vmem>>, vector<16xf32>,
    %swap3A_212 = arith.constant 3 : i32
    %swap3A_213 = arith.index_cast %swap3A_212 : i32 to index
    %swap3A_214 = arith.constant 16 : index
    %swap3A_215 = tpu.vector_load %arg10[%swap3A_213, %swap3A_214] {strides = array<i32>} : memref<16x128xf32, #tpu.memory_space<vmem>>, vector<16xf32>,
    tpu.vector_store %arg10[%swap3A_213, %swap3A_214], %broadcast_in_dim3A_12 {strides = array<i32>} : memref<16x128xf32, #tpu.memory_space<vmem>>, vector<16xf32>,
    %swap3A_216 = arith.constant 3 : i32
    %swap3A_217 = arith.index_cast %swap3A_216 : i32 to index
    %swap3A_218 = arith.constant 16 : index
    %swap3A_219 = tpu.vector_load %arg11[%swap3A_217, %swap3A_218] {strides = array<i32>} : memref<16x128xf32, #tpu.memory_space<vmem>>, vector<16xf32>,
    tpu.vector_store %arg11[%swap3A_217, %swap3A_218], %broadcast_in_dim3A_12 {strides = array<i32>} : memref<16x128xf32, #tpu.memory_space<vmem>>, vector<16xf32>,
    %swap3A_220 = arith.constant 3 : i32
    %swap3A_221 = arith.index_cast %swap3A_220 : i32 to index
    %swap3A_222 = arith.constant 32 : index
    %swap3A_223 = tpu.vector_load %arg10[%swap3A_221, %swap3A_222] {strides = array<i32>} : memref<16x128xf32, #tpu.memory_space<vmem>>, vector<16xf32>,
    tpu.vector_store %arg10[%swap3A_221, %swap3A_222], %broadcast_in_dim3A_12 {strides = array<i32>} : memref<16x128xf32, #tpu.memory_space<vmem>>, vector<16xf32>,
    %swap3A_224 = arith.constant 3 : i32
    %swap3A_225 = arith.index_cast %swap3A_224 : i32 to index
    %swap3A_226 = arith.constant 32 : index
    %swap3A_227 = tpu.vector_load %arg11[%swap3A_225, %swap3A_226] {strides = array<i32>} : memref<16x128xf32, #tpu.memory_space<vmem>>, vector<16xf32>,
    tpu.vector_store %arg11[%swap3A_225, %swap3A_226], %broadcast_in_dim3A_12 {strides = array<i32>} : memref<16x128xf32, #tpu.memory_space<vmem>>, vector<16xf32>,
    %swap3A_228 = arith.constant 3 : i32
    %swap3A_229 = arith.index_cast %swap3A_228 : i32 to index
    %swap3A_230 = arith.constant 48 : index
    %swap3A_231 = tpu.vector_load %arg10[%swap3A_229, %swap3A_230] {strides = array<i32>} : memref<16x128xf32, #tpu.memory_space<vmem>>, vector<16xf32>,
    tpu.vector_store %arg10[%swap3A_229, %swap3A_230], %broadcast_in_dim3A_12 {strides = array<i32>} : memref<16x128xf32, #tpu.memory_space<vmem>>, vector<16xf32>,
    %swap3A_232 = arith.constant 3 : i32
    %swap3A_233 = arith.index_cast %swap3A_232 : i32 to index
    %swap3A_234 = arith.constant 48 : index
    %swap3A_235 = tpu.vector_load %arg11[%swap3A_233, %swap3A_234] {strides = array<i32>} : memref<16x128xf32, #tpu.memory_space<vmem>>, vector<16xf32>,
    tpu.vector_store %arg11[%swap3A_233, %swap3A_234], %broadcast_in_dim3A_12 {strides = array<i32>} : memref<16x128xf32, #tpu.memory_space<vmem>>, vector<16xf32>,
    %swap3A_236 = arith.constant 3 : i32
    %swap3A_237 = arith.index_cast %swap3A_236 : i32 to index
    %swap3A_238 = arith.constant 64 : index
    %swap3A_239 = tpu.vector_load %arg10[%swap3A_237, %swap3A_238] {strides = array<i32>} : memref<16x128xf32, #tpu.memory_space<vmem>>, vector<16xf32>,
    tpu.vector_store %arg10[%swap3A_237, %swap3A_238], %broadcast_in_dim3A_12 {strides = array<i32>} : memref<16x128xf32, #tpu.memory_space<vmem>>, vector<16xf32>,
    %swap3A_240 = arith.constant 3 : i32
    %swap3A_241 = arith.index_cast %swap3A_240 : i32 to index
    %swap3A_242 = arith.constant 64 : index
    %swap3A_243 = tpu.vector_load %arg11[%swap3A_241, %swap3A_242] {strides = array<i32>} : memref<16x128xf32, #tpu.memory_space<vmem>>, vector<16xf32>,
    tpu.vector_store %arg11[%swap3A_241, %swap3A_242], %broadcast_in_dim3A_12 {strides = array<i32>} : memref<16x128xf32, #tpu.memory_space<vmem>>, vector<16xf32>,
    %swap3A_244 = arith.constant 3 : i32
    %swap3A_245 = arith.index_cast %swap3A_244 : i32 to index
    %swap3A_246 = arith.constant 80 : index
    %swap3A_247 = tpu.vector_load %arg10[%swap3A_245, %swap3A_246] {strides = array<i32>} : memref<16x128xf32, #tpu.memory_space<vmem>>, vector<16xf32>,
    tpu.vector_store %arg10[%swap3A_245, %swap3A_246], %broadcast_in_dim3A_12 {strides = array<i32>} : memref<16x128xf32, #tpu.memory_space<vmem>>, vector<16xf32>,
    %swap3A_248 = arith.constant 3 : i32
    %swap3A_249 = arith.index_cast %swap3A_248 : i32 to index
    %swap3A_250 = arith.constant 80 : index
    %swap3A_251 = tpu.vector_load %arg11[%swap3A_249, %swap3A_250] {strides = array<i32>} : memref<16x128xf32, #tpu.memory_space<vmem>>, vector<16xf32>,
    tpu.vector_store %arg11[%swap3A_249, %swap3A_250], %broadcast_in_dim3A_12 {strides = array<i32>} : memref<16x128xf32, #tpu.memory_space<vmem>>, vector<16xf32>,
    %swap3A_252 = arith.constant 3 : i32
    %swap3A_253 = arith.index_cast %swap3A_252 : i32 to index
    %swap3A_254 = arith.constant 96 : index
    %swap3A_255 = tpu.vector_load %arg10[%swap3A_253, %swap3A_254] {strides = array<i32>} : memref<16x128xf32, #tpu.memory_space<vmem>>, vector<16xf32>,
    tpu.vector_store %arg10[%swap3A_253, %swap3A_254], %broadcast_in_dim3A_12 {strides = array<i32>} : memref<16x128xf32, #tpu.memory_space<vmem>>, vector<16xf32>,
    %swap3A_256 = arith.constant 3 : i32
    %swap3A_257 = arith.index_cast %swap3A_256 : i32 to index
    %swap3A_258 = arith.constant 96 : index
    %swap3A_259 = tpu.vector_load %arg11[%swap3A_257, %swap3A_258] {strides = array<i32>} : memref<16x128xf32, #tpu.memory_space<vmem>>, vector<16xf32>,
    tpu.vector_store %arg11[%swap3A_257, %swap3A_258], %broadcast_in_dim3A_12 {strides = array<i32>} : memref<16x128xf32, #tpu.memory_space<vmem>>, vector<16xf32>,
    %swap3A_260 = arith.constant 3 : i32
    %swap3A_261 = arith.index_cast %swap3A_260 : i32 to index
    %swap3A_262 = arith.constant 112 : index
    %swap3A_263 = tpu.vector_load %arg10[%swap3A_261, %swap3A_262] {strides = array<i32>} : memref<16x128xf32, #tpu.memory_space<vmem>>, vector<16xf32>,
    tpu.vector_store %arg10[%swap3A_261, %swap3A_262], %broadcast_in_dim3A_12 {strides = array<i32>} : memref<16x128xf32, #tpu.memory_space<vmem>>, vector<16xf32>,
    %swap3A_264 = arith.constant 3 : i32
    %swap3A_265 = arith.index_cast %swap3A_264 : i32 to index
    %swap3A_266 = arith.constant 112 : index
    %swap3A_267 = tpu.vector_load %arg11[%swap3A_265, %swap3A_266] {strides = array<i32>} : memref<16x128xf32, #tpu.memory_space<vmem>>, vector<16xf32>,
    tpu.vector_store %arg11[%swap3A_265, %swap3A_266], %broadcast_in_dim3A_12 {strides = array<i32>} : memref<16x128xf32, #tpu.memory_space<vmem>>, vector<16xf32>,
    %swap3A_268 = arith.constant 4 : i32
    %swap3A_269 = arith.index_cast %swap3A_268 : i32 to index
    %swap3A_270 = arith.constant 0 : index
    %swap3A_271 = tpu.vector_load %arg10[%swap3A_269, %swap3A_270] {strides = array<i32>} : memref<16x128xf32, #tpu.memory_space<vmem>>, vector<16xf32>,
    tpu.vector_store %arg10[%swap3A_269, %swap3A_270], %broadcast_in_dim3A_12 {strides = array<i32>} : memref<16x128xf32, #tpu.memory_space<vmem>>, vector<16xf32>,
    %swap3A_272 = arith.constant 4 : i32
    %swap3A_273 = arith.index_cast %swap3A_272 : i32 to index
    %swap3A_274 = arith.constant 0 : index
    %swap3A_275 = tpu.vector_load %arg11[%swap3A_273, %swap3A_274] {strides = array<i32>} : memref<16x128xf32, #tpu.memory_space<vmem>>, vector<16xf32>,
    tpu.vector_store %arg11[%swap3A_273, %swap3A_274], %broadcast_in_dim3A_12 {strides = array<i32>} : memref<16x128xf32, #tpu.memory_space<vmem>>, vector<16xf32>,
    %swap3A_276 = arith.constant 4 : i32
    %swap3A_277 = arith.index_cast %swap3A_276 : i32 to index
    %swap3A_278 = arith.constant 16 : index
    %swap3A_279 = tpu.vector_load %arg10[%swap3A_277, %swap3A_278] {strides = array<i32>} : memref<16x128xf32, #tpu.memory_space<vmem>>, vector<16xf32>,
    tpu.vector_store %arg10[%swap3A_277, %swap3A_278], %broadcast_in_dim3A_12 {strides = array<i32>} : memref<16x128xf32, #tpu.memory_space<vmem>>, vector<16xf32>,
    %swap3A_280 = arith.constant 4 : i32
    %swap3A_281 = arith.index_cast %swap3A_280 : i32 to index
    %swap3A_282 = arith.constant 16 : index
    %swap3A_283 = tpu.vector_load %arg11[%swap3A_281, %swap3A_282] {strides = array<i32>} : memref<16x128xf32, #tpu.memory_space<vmem>>, vector<16xf32>,
    tpu.vector_store %arg11[%swap3A_281, %swap3A_282], %broadcast_in_dim3A_12 {strides = array<i32>} : memref<16x128xf32, #tpu.memory_space<vmem>>, vector<16xf32>,
    %swap3A_284 = arith.constant 4 : i32
    %swap3A_285 = arith.index_cast %swap3A_284 : i32 to index
    %swap3A_286 = arith.constant 32 : index
    %swap3A_287 = tpu.vector_load %arg10[%swap3A_285, %swap3A_286] {strides = array<i32>} : memref<16x128xf32, #tpu.memory_space<vmem>>, vector<16xf32>,
    tpu.vector_store %arg10[%swap3A_285, %swap3A_286], %broadcast_in_dim3A_12 {strides = array<i32>} : memref<16x128xf32, #tpu.memory_space<vmem>>, vector<16xf32>,
    %swap3A_288 = arith.constant 4 : i32
    %swap3A_289 = arith.index_cast %swap3A_288 : i32 to index
    %swap3A_290 = arith.constant 32 : index
    %swap3A_291 = tpu.vector_load %arg11[%swap3A_289, %swap3A_290] {strides = array<i32>} : memref<16x128xf32, #tpu.memory_space<vmem>>, vector<16xf32>,
    tpu.vector_store %arg11[%swap3A_289, %swap3A_290], %broadcast_in_dim3A_12 {strides = array<i32>} : memref<16x128xf32, #tpu.memory_space<vmem>>, vector<16xf32>,
    %swap3A_292 = arith.constant 4 : i32
    %swap3A_293 = arith.index_cast %swap3A_292 : i32 to index
    %swap3A_294 = arith.constant 48 : index
    %swap3A_295 = tpu.vector_load %arg10[%swap3A_293, %swap3A_294] {strides = array<i32>} : memref<16x128xf32, #tpu.memory_space<vmem>>, vector<16xf32>,
    tpu.vector_store %arg10[%swap3A_293, %swap3A_294], %broadcast_in_dim3A_12 {strides = array<i32>} : memref<16x128xf32, #tpu.memory_space<vmem>>, vector<16xf32>,
    %swap3A_296 = arith.constant 4 : i32
    %swap3A_297 = arith.index_cast %swap3A_296 : i32 to index
    %swap3A_298 = arith.constant 48 : index
    %swap3A_299 = tpu.vector_load %arg11[%swap3A_297, %swap3A_298] {strides = array<i32>} : memref<16x128xf32, #tpu.memory_space<vmem>>, vector<16xf32>,
    tpu.vector_store %arg11[%swap3A_297, %swap3A_298], %broadcast_in_dim3A_12 {strides = array<i32>} : memref<16x128xf32, #tpu.memory_space<vmem>>, vector<16xf32>,
    %swap3A_300 = arith.constant 4 : i32
    %swap3A_301 = arith.index_cast %swap3A_300 : i32 to index
    %swap3A_302 = arith.constant 64 : index
    %swap3A_303 = tpu.vector_load %arg10[%swap3A_301, %swap3A_302] {strides = array<i32>} : memref<16x128xf32, #tpu.memory_space<vmem>>, vector<16xf32>,
    tpu.vector_store %arg10[%swap3A_301, %swap3A_302], %broadcast_in_dim3A_12 {strides = array<i32>} : memref<16x128xf32, #tpu.memory_space<vmem>>, vector<16xf32>,
    %swap3A_304 = arith.constant 4 : i32
    %swap3A_305 = arith.index_cast %swap3A_304 : i32 to index
    %swap3A_306 = arith.constant 64 : index
    %swap3A_307 = tpu.vector_load %arg11[%swap3A_305, %swap3A_306] {strides = array<i32>} : memref<16x128xf32, #tpu.memory_space<vmem>>, vector<16xf32>,
    tpu.vector_store %arg11[%swap3A_305, %swap3A_306], %broadcast_in_dim3A_12 {strides = array<i32>} : memref<16x128xf32, #tpu.memory_space<vmem>>, vector<16xf32>,
    %swap3A_308 = arith.constant 4 : i32
    %swap3A_309 = arith.index_cast %swap3A_308 : i32 to index
    %swap3A_310 = arith.constant 80 : index
    %swap3A_311 = tpu.vector_load %arg10[%swap3A_309, %swap3A_310] {strides = array<i32>} : memref<16x128xf32, #tpu.memory_space<vmem>>, vector<16xf32>,
    tpu.vector_store %arg10[%swap3A_309, %swap3A_310], %broadcast_in_dim3A_12 {strides = array<i32>} : memref<16x128xf32, #tpu.memory_space<vmem>>, vector<16xf32>,
    %swap3A_312 = arith.constant 4 : i32
    %swap3A_313 = arith.index_cast %swap3A_312 : i32 to index
    %swap3A_314 = arith.constant 80 : index
    %swap3A_315 = tpu.vector_load %arg11[%swap3A_313, %swap3A_314] {strides = array<i32>} : memref<16x128xf32, #tpu.memory_space<vmem>>, vector<16xf32>,
    tpu.vector_store %arg11[%swap3A_313, %swap3A_314], %broadcast_in_dim3A_12 {strides = array<i32>} : memref<16x128xf32, #tpu.memory_space<vmem>>, vector<16xf32>,
    %swap3A_316 = arith.constant 4 : i32
    %swap3A_317 = arith.index_cast %swap3A_316 : i32 to index
    %swap3A_318 = arith.constant 96 : index
    %swap3A_319 = tpu.vector_load %arg10[%swap3A_317, %swap3A_318] {strides = array<i32>} : memref<16x128xf32, #tpu.memory_space<vmem>>, vector<16xf32>,
    tpu.vector_store %arg10[%swap3A_317, %swap3A_318], %broadcast_in_dim3A_12 {strides = array<i32>} : memref<16x128xf32, #tpu.memory_space<vmem>>, vector<16xf32>,
    %swap3A_320 = arith.constant 4 : i32
    %swap3A_321 = arith.index_cast %swap3A_320 : i32 to index
    %swap3A_322 = arith.constant 96 : index
    %swap3A_323 = tpu.vector_load %arg11[%swap3A_321, %swap3A_322] {strides = array<i32>} : memref<16x128xf32, #tpu.memory_space<vmem>>, vector<16xf32>,
    tpu.vector_store %arg11[%swap3A_321, %swap3A_322], %broadcast_in_dim3A_12 {strides = array<i32>} : memref<16x128xf32, #tpu.memory_space<vmem>>, vector<16xf32>,
    %swap3A_324 = arith.constant 4 : i32
    %swap3A_325 = arith.index_cast %swap3A_324 : i32 to index
    %swap3A_326 = arith.constant 112 : index
    %swap3A_327 = tpu.vector_load %arg10[%swap3A_325, %swap3A_326] {strides = array<i32>} : memref<16x128xf32, #tpu.memory_space<vmem>>, vector<16xf32>,
    tpu.vector_store %arg10[%swap3A_325, %swap3A_326], %broadcast_in_dim3A_12 {strides = array<i32>} : memref<16x128xf32, #tpu.memory_space<vmem>>, vector<16xf32>,
    %swap3A_328 = arith.constant 4 : i32
    %swap3A_329 = arith.index_cast %swap3A_328 : i32 to index
    %swap3A_330 = arith.constant 112 : index
    %swap3A_331 = tpu.vector_load %arg11[%swap3A_329, %swap3A_330] {strides = array<i32>} : memref<16x128xf32, #tpu.memory_space<vmem>>, vector<16xf32>,
    tpu.vector_store %arg11[%swap3A_329, %swap3A_330], %broadcast_in_dim3A_12 {strides = array<i32>} : memref<16x128xf32, #tpu.memory_space<vmem>>, vector<16xf32>,
    %swap3A_332 = arith.constant 5 : i32
    %swap3A_333 = arith.index_cast %swap3A_332 : i32 to index
    %swap3A_334 = arith.constant 0 : index
    %swap3A_335 = tpu.vector_load %arg10[%swap3A_333, %swap3A_334] {strides = array<i32>} : memref<16x128xf32, #tpu.memory_space<vmem>>, vector<16xf32>,
    tpu.vector_store %arg10[%swap3A_333, %swap3A_334], %broadcast_in_dim3A_12 {strides = array<i32>} : memref<16x128xf32, #tpu.memory_space<vmem>>, vector<16xf32>,
    %swap3A_336 = arith.constant 5 : i32
    %swap3A_337 = arith.index_cast %swap3A_336 : i32 to index
    %swap3A_338 = arith.constant 0 : index
    %swap3A_339 = tpu.vector_load %arg11[%swap3A_337, %swap3A_338] {strides = array<i32>} : memref<16x128xf32, #tpu.memory_space<vmem>>, vector<16xf32>,
    tpu.vector_store %arg11[%swap3A_337, %swap3A_338], %broadcast_in_dim3A_12 {strides = array<i32>} : memref<16x128xf32, #tpu.memory_space<vmem>>, vector<16xf32>,
    %swap3A_340 = arith.constant 5 : i32
    %swap3A_341 = arith.index_cast %swap3A_340 : i32 to index
    %swap3A_342 = arith.constant 16 : index
    %swap3A_343 = tpu.vector_load %arg10[%swap3A_341, %swap3A_342] {strides = array<i32>} : memref<16x128xf32, #tpu.memory_space<vmem>>, vector<16xf32>,
    tpu.vector_store %arg10[%swap3A_341, %swap3A_342], %broadcast_in_dim3A_12 {strides = array<i32>} : memref<16x128xf32, #tpu.memory_space<vmem>>, vector<16xf32>,
    %swap3A_344 = arith.constant 5 : i32
    %swap3A_345 = arith.index_cast %swap3A_344 : i32 to index
    %swap3A_346 = arith.constant 16 : index
    %swap3A_347 = tpu.vector_load %arg11[%swap3A_345, %swap3A_346] {strides = array<i32>} : memref<16x128xf32, #tpu.memory_space<vmem>>, vector<16xf32>,
    tpu.vector_store %arg11[%swap3A_345, %swap3A_346], %broadcast_in_dim3A_12 {strides = array<i32>} : memref<16x128xf32, #tpu.memory_space<vmem>>, vector<16xf32>,
    %swap3A_348 = arith.constant 5 : i32
    %swap3A_349 = arith.index_cast %swap3A_348 : i32 to index
    %swap3A_350 = arith.constant 32 : index
    %swap3A_351 = tpu.vector_load %arg10[%swap3A_349, %swap3A_350] {strides = array<i32>} : memref<16x128xf32, #tpu.memory_space<vmem>>, vector<16xf32>,
    tpu.vector_store %arg10[%swap3A_349, %swap3A_350], %broadcast_in_dim3A_12 {strides = array<i32>} : memref<16x128xf32, #tpu.memory_space<vmem>>, vector<16xf32>,
    %swap3A_352 = arith.constant 5 : i32
    %swap3A_353 = arith.index_cast %swap3A_352 : i32 to index
    %swap3A_354 = arith.constant 32 : index
    %swap3A_355 = tpu.vector_load %arg11[%swap3A_353, %swap3A_354] {strides = array<i32>} : memref<16x128xf32, #tpu.memory_space<vmem>>, vector<16xf32>,
    tpu.vector_store %arg11[%swap3A_353, %swap3A_354], %broadcast_in_dim3A_12 {strides = array<i32>} : memref<16x128xf32, #tpu.memory_space<vmem>>, vector<16xf32>,
    %swap3A_356 = arith.constant 5 : i32
    %swap3A_357 = arith.index_cast %swap3A_356 : i32 to index
    %swap3A_358 = arith.constant 48 : index
    %swap3A_359 = tpu.vector_load %arg10[%swap3A_357, %swap3A_358] {strides = array<i32>} : memref<16x128xf32, #tpu.memory_space<vmem>>, vector<16xf32>,
    tpu.vector_store %arg10[%swap3A_357, %swap3A_358], %broadcast_in_dim3A_12 {strides = array<i32>} : memref<16x128xf32, #tpu.memory_space<vmem>>, vector<16xf32>,
    %swap3A_360 = arith.constant 5 : i32
    %swap3A_361 = arith.index_cast %swap3A_360 : i32 to index
    %swap3A_362 = arith.constant 48 : index
    %swap3A_363 = tpu.vector_load %arg11[%swap3A_361, %swap3A_362] {strides = array<i32>} : memref<16x128xf32, #tpu.memory_space<vmem>>, vector<16xf32>,
    tpu.vector_store %arg11[%swap3A_361, %swap3A_362], %broadcast_in_dim3A_12 {strides = array<i32>} : memref<16x128xf32, #tpu.memory_space<vmem>>, vector<16xf32>,
    %swap3A_364 = arith.constant 5 : i32
    %swap3A_365 = arith.index_cast %swap3A_364 : i32 to index
    %swap3A_366 = arith.constant 64 : index
    %swap3A_367 = tpu.vector_load %arg10[%swap3A_365, %swap3A_366] {strides = array<i32>} : memref<16x128xf32, #tpu.memory_space<vmem>>, vector<16xf32>,
    tpu.vector_store %arg10[%swap3A_365, %swap3A_366], %broadcast_in_dim3A_12 {strides = array<i32>} : memref<16x128xf32, #tpu.memory_space<vmem>>, vector<16xf32>,
    %swap3A_368 = arith.constant 5 : i32
    %swap3A_369 = arith.index_cast %swap3A_368 : i32 to index
    %swap3A_370 = arith.constant 64 : index
    %swap3A_371 = tpu.vector_load %arg11[%swap3A_369, %swap3A_370] {strides = array<i32>} : memref<16x128xf32, #tpu.memory_space<vmem>>, vector<16xf32>,
    tpu.vector_store %arg11[%swap3A_369, %swap3A_370], %broadcast_in_dim3A_12 {strides = array<i32>} : memref<16x128xf32, #tpu.memory_space<vmem>>, vector<16xf32>,
    %swap3A_372 = arith.constant 5 : i32
    %swap3A_373 = arith.index_cast %swap3A_372 : i32 to index
    %swap3A_374 = arith.constant 80 : index
    %swap3A_375 = tpu.vector_load %arg10[%swap3A_373, %swap3A_374] {strides = array<i32>} : memref<16x128xf32, #tpu.memory_space<vmem>>, vector<16xf32>,
    tpu.vector_store %arg10[%swap3A_373, %swap3A_374], %broadcast_in_dim3A_12 {strides = array<i32>} : memref<16x128xf32, #tpu.memory_space<vmem>>, vector<16xf32>,
    %swap3A_376 = arith.constant 5 : i32
    %swap3A_377 = arith.index_cast %swap3A_376 : i32 to index
    %swap3A_378 = arith.constant 80 : index
    %swap3A_379 = tpu.vector_load %arg11[%swap3A_377, %swap3A_378] {strides = array<i32>} : memref<16x128xf32, #tpu.memory_space<vmem>>, vector<16xf32>,
    tpu.vector_store %arg11[%swap3A_377, %swap3A_378], %broadcast_in_dim3A_12 {strides = array<i32>} : memref<16x128xf32, #tpu.memory_space<vmem>>, vector<16xf32>,
    %swap3A_380 = arith.constant 5 : i32
    %swap3A_381 = arith.index_cast %swap3A_380 : i32 to index
    %swap3A_382 = arith.constant 96 : index
    %swap3A_383 = tpu.vector_load %arg10[%swap3A_381, %swap3A_382] {strides = array<i32>} : memref<16x128xf32, #tpu.memory_space<vmem>>, vector<16xf32>,
    tpu.vector_store %arg10[%swap3A_381, %swap3A_382], %broadcast_in_dim3A_12 {strides = array<i32>} : memref<16x128xf32, #tpu.memory_space<vmem>>, vector<16xf32>,
    %swap3A_384 = arith.constant 5 : i32
    %swap3A_385 = arith.index_cast %swap3A_384 : i32 to index
    %swap3A_386 = arith.constant 96 : index
    %swap3A_387 = tpu.vector_load %arg11[%swap3A_385, %swap3A_386] {strides = array<i32>} : memref<16x128xf32, #tpu.memory_space<vmem>>, vector<16xf32>,
    tpu.vector_store %arg11[%swap3A_385, %swap3A_386], %broadcast_in_dim3A_12 {strides = array<i32>} : memref<16x128xf32, #tpu.memory_space<vmem>>, vector<16xf32>,
    %swap3A_388 = arith.constant 5 : i32
    %swap3A_389 = arith.index_cast %swap3A_388 : i32 to index
    %swap3A_390 = arith.constant 112 : index
    %swap3A_391 = tpu.vector_load %arg10[%swap3A_389, %swap3A_390] {strides = array<i32>} : memref<16x128xf32, #tpu.memory_space<vmem>>, vector<16xf32>,
    tpu.vector_store %arg10[%swap3A_389, %swap3A_390], %broadcast_in_dim3A_12 {strides = array<i32>} : memref<16x128xf32, #tpu.memory_space<vmem>>, vector<16xf32>,
    %swap3A_392 = arith.constant 5 : i32
    %swap3A_393 = arith.index_cast %swap3A_392 : i32 to index
    %swap3A_394 = arith.constant 112 : index
    %swap3A_395 = tpu.vector_load %arg11[%swap3A_393, %swap3A_394] {strides = array<i32>} : memref<16x128xf32, #tpu.memory_space<vmem>>, vector<16xf32>,
    tpu.vector_store %arg11[%swap3A_393, %swap3A_394], %broadcast_in_dim3A_12 {strides = array<i32>} : memref<16x128xf32, #tpu.memory_space<vmem>>, vector<16xf32>,
    %swap3A_396 = arith.constant 6 : i32
    %swap3A_397 = arith.index_cast %swap3A_396 : i32 to index
    %swap3A_398 = arith.constant 0 : index
    %swap3A_399 = tpu.vector_load %arg10[%swap3A_397, %swap3A_398] {strides = array<i32>} : memref<16x128xf32, #tpu.memory_space<vmem>>, vector<16xf32>,
    tpu.vector_store %arg10[%swap3A_397, %swap3A_398], %broadcast_in_dim3A_12 {strides = array<i32>} : memref<16x128xf32, #tpu.memory_space<vmem>>, vector<16xf32>,
    %swap3A_400 = arith.constant 6 : i32
    %swap3A_401 = arith.index_cast %swap3A_400 : i32 to index
    %swap3A_402 = arith.constant 0 : index
    %swap3A_403 = tpu.vector_load %arg11[%swap3A_401, %swap3A_402] {strides = array<i32>} : memref<16x128xf32, #tpu.memory_space<vmem>>, vector<16xf32>,
    tpu.vector_store %arg11[%swap3A_401, %swap3A_402], %broadcast_in_dim3A_12 {strides = array<i32>} : memref<16x128xf32, #tpu.memory_space<vmem>>, vector<16xf32>,
    %swap3A_404 = arith.constant 6 : i32
    %swap3A_405 = arith.index_cast %swap3A_404 : i32 to index
    %swap3A_406 = arith.constant 16 : index
    %swap3A_407 = tpu.vector_load %arg10[%swap3A_405, %swap3A_406] {strides = array<i32>} : memref<16x128xf32, #tpu.memory_space<vmem>>, vector<16xf32>,
    tpu.vector_store %arg10[%swap3A_405, %swap3A_406], %broadcast_in_dim3A_12 {strides = array<i32>} : memref<16x128xf32, #tpu.memory_space<vmem>>, vector<16xf32>,
    %swap3A_408 = arith.constant 6 : i32
    %swap3A_409 = arith.index_cast %swap3A_408 : i32 to index
    %swap3A_410 = arith.constant 16 : index
    %swap3A_411 = tpu.vector_load %arg11[%swap3A_409, %swap3A_410] {strides = array<i32>} : memref<16x128xf32, #tpu.memory_space<vmem>>, vector<16xf32>,
    tpu.vector_store %arg11[%swap3A_409, %swap3A_410], %broadcast_in_dim3A_12 {strides = array<i32>} : memref<16x128xf32, #tpu.memory_space<vmem>>, vector<16xf32>,
    %swap3A_412 = arith.constant 6 : i32
    %swap3A_413 = arith.index_cast %swap3A_412 : i32 to index
    %swap3A_414 = arith.constant 32 : index
    %swap3A_415 = tpu.vector_load %arg10[%swap3A_413, %swap3A_414] {strides = array<i32>} : memref<16x128xf32, #tpu.memory_space<vmem>>, vector<16xf32>,
    tpu.vector_store %arg10[%swap3A_413, %swap3A_414], %broadcast_in_dim3A_12 {strides = array<i32>} : memref<16x128xf32, #tpu.memory_space<vmem>>, vector<16xf32>,
    %swap3A_416 = arith.constant 6 : i32
    %swap3A_417 = arith.index_cast %swap3A_416 : i32 to index
    %swap3A_418 = arith.constant 32 : index
    %swap3A_419 = tpu.vector_load %arg11[%swap3A_417, %swap3A_418] {strides = array<i32>} : memref<16x128xf32, #tpu.memory_space<vmem>>, vector<16xf32>,
    tpu.vector_store %arg11[%swap3A_417, %swap3A_418], %broadcast_in_dim3A_12 {strides = array<i32>} : memref<16x128xf32, #tpu.memory_space<vmem>>, vector<16xf32>,
    %swap3A_420 = arith.constant 6 : i32
    %swap3A_421 = arith.index_cast %swap3A_420 : i32 to index
    %swap3A_422 = arith.constant 48 : index
    %swap3A_423 = tpu.vector_load %arg10[%swap3A_421, %swap3A_422] {strides = array<i32>} : memref<16x128xf32, #tpu.memory_space<vmem>>, vector<16xf32>,
    tpu.vector_store %arg10[%swap3A_421, %swap3A_422], %broadcast_in_dim3A_12 {strides = array<i32>} : memref<16x128xf32, #tpu.memory_space<vmem>>, vector<16xf32>,
    %swap3A_424 = arith.constant 6 : i32
    %swap3A_425 = arith.index_cast %swap3A_424 : i32 to index
    %swap3A_426 = arith.constant 48 : index
    %swap3A_427 = tpu.vector_load %arg11[%swap3A_425, %swap3A_426] {strides = array<i32>} : memref<16x128xf32, #tpu.memory_space<vmem>>, vector<16xf32>,
    tpu.vector_store %arg11[%swap3A_425, %swap3A_426], %broadcast_in_dim3A_12 {strides = array<i32>} : memref<16x128xf32, #tpu.memory_space<vmem>>, vector<16xf32>,
    %swap3A_428 = arith.constant 6 : i32
    %swap3A_429 = arith.index_cast %swap3A_428 : i32 to index
    %swap3A_430 = arith.constant 64 : index
    %swap3A_431 = tpu.vector_load %arg10[%swap3A_429, %swap3A_430] {strides = array<i32>} : memref<16x128xf32, #tpu.memory_space<vmem>>, vector<16xf32>,
    tpu.vector_store %arg10[%swap3A_429, %swap3A_430], %broadcast_in_dim3A_12 {strides = array<i32>} : memref<16x128xf32, #tpu.memory_space<vmem>>, vector<16xf32>,
    %swap3A_432 = arith.constant 6 : i32
    %swap3A_433 = arith.index_cast %swap3A_432 : i32 to index
    %swap3A_434 = arith.constant 64 : index
    %swap3A_435 = tpu.vector_load %arg11[%swap3A_433, %swap3A_434] {strides = array<i32>} : memref<16x128xf32, #tpu.memory_space<vmem>>, vector<16xf32>,
    tpu.vector_store %arg11[%swap3A_433, %swap3A_434], %broadcast_in_dim3A_12 {strides = array<i32>} : memref<16x128xf32, #tpu.memory_space<vmem>>, vector<16xf32>,
    %swap3A_436 = arith.constant 6 : i32
    %swap3A_437 = arith.index_cast %swap3A_436 : i32 to index
    %swap3A_438 = arith.constant 80 : index
    %swap3A_439 = tpu.vector_load %arg10[%swap3A_437, %swap3A_438] {strides = array<i32>} : memref<16x128xf32, #tpu.memory_space<vmem>>, vector<16xf32>,
    tpu.vector_store %arg10[%swap3A_437, %swap3A_438], %broadcast_in_dim3A_12 {strides = array<i32>} : memref<16x128xf32, #tpu.memory_space<vmem>>, vector<16xf32>,
    %swap3A_440 = arith.constant 6 : i32
    %swap3A_441 = arith.index_cast %swap3A_440 : i32 to index
    %swap3A_442 = arith.constant 80 : index
    %swap3A_443 = tpu.vector_load %arg11[%swap3A_441, %swap3A_442] {strides = array<i32>} : memref<16x128xf32, #tpu.memory_space<vmem>>, vector<16xf32>,
    tpu.vector_store %arg11[%swap3A_441, %swap3A_442], %broadcast_in_dim3A_12 {strides = array<i32>} : memref<16x128xf32, #tpu.memory_space<vmem>>, vector<16xf32>,
    %swap3A_444 = arith.constant 6 : i32
    %swap3A_445 = arith.index_cast %swap3A_444 : i32 to index
    %swap3A_446 = arith.constant 96 : index
    %swap3A_447 = tpu.vector_load %arg10[%swap3A_445, %swap3A_446] {strides = array<i32>} : memref<16x128xf32, #tpu.memory_space<vmem>>, vector<16xf32>,
    tpu.vector_store %arg10[%swap3A_445, %swap3A_446], %broadcast_in_dim3A_12 {strides = array<i32>} : memref<16x128xf32, #tpu.memory_space<vmem>>, vector<16xf32>,
    %swap3A_448 = arith.constant 6 : i32
    %swap3A_449 = arith.index_cast %swap3A_448 : i32 to index
    %swap3A_450 = arith.constant 96 : index
    %swap3A_451 = tpu.vector_load %arg11[%swap3A_449, %swap3A_450] {strides = array<i32>} : memref<16x128xf32, #tpu.memory_space<vmem>>, vector<16xf32>,
    tpu.vector_store %arg11[%swap3A_449, %swap3A_450], %broadcast_in_dim3A_12 {strides = array<i32>} : memref<16x128xf32, #tpu.memory_space<vmem>>, vector<16xf32>,
    %swap3A_452 = arith.constant 6 : i32
    %swap3A_453 = arith.index_cast %swap3A_452 : i32 to index
    %swap3A_454 = arith.constant 112 : index
    %swap3A_455 = tpu.vector_load %arg10[%swap3A_453, %swap3A_454] {strides = array<i32>} : memref<16x128xf32, #tpu.memory_space<vmem>>, vector<16xf32>,
    tpu.vector_store %arg10[%swap3A_453, %swap3A_454], %broadcast_in_dim3A_12 {strides = array<i32>} : memref<16x128xf32, #tpu.memory_space<vmem>>, vector<16xf32>,
    %swap3A_456 = arith.constant 6 : i32
    %swap3A_457 = arith.index_cast %swap3A_456 : i32 to index
    %swap3A_458 = arith.constant 112 : index
    %swap3A_459 = tpu.vector_load %arg11[%swap3A_457, %swap3A_458] {strides = array<i32>} : memref<16x128xf32, #tpu.memory_space<vmem>>, vector<16xf32>,
    tpu.vector_store %arg11[%swap3A_457, %swap3A_458], %broadcast_in_dim3A_12 {strides = array<i32>} : memref<16x128xf32, #tpu.memory_space<vmem>>, vector<16xf32>,
    %swap3A_460 = arith.constant 7 : i32
    %swap3A_461 = arith.index_cast %swap3A_460 : i32 to index
    %swap3A_462 = arith.constant 0 : index
    %swap3A_463 = tpu.vector_load %arg10[%swap3A_461, %swap3A_462] {strides = array<i32>} : memref<16x128xf32, #tpu.memory_space<vmem>>, vector<16xf32>,
    tpu.vector_store %arg10[%swap3A_461, %swap3A_462], %broadcast_in_dim3A_12 {strides = array<i32>} : memref<16x128xf32, #tpu.memory_space<vmem>>, vector<16xf32>,
    %swap3A_464 = arith.constant 7 : i32
    %swap3A_465 = arith.index_cast %swap3A_464 : i32 to index
    %swap3A_466 = arith.constant 0 : index
    %swap3A_467 = tpu.vector_load %arg11[%swap3A_465, %swap3A_466] {strides = array<i32>} : memref<16x128xf32, #tpu.memory_space<vmem>>, vector<16xf32>,
    tpu.vector_store %arg11[%swap3A_465, %swap3A_466], %broadcast_in_dim3A_12 {strides = array<i32>} : memref<16x128xf32, #tpu.memory_space<vmem>>, vector<16xf32>,
    %swap3A_468 = arith.constant 7 : i32
    %swap3A_469 = arith.index_cast %swap3A_468 : i32 to index
    %swap3A_470 = arith.constant 16 : index
    %swap3A_471 = tpu.vector_load %arg10[%swap3A_469, %swap3A_470] {strides = array<i32>} : memref<16x128xf32, #tpu.memory_space<vmem>>, vector<16xf32>,
    tpu.vector_store %arg10[%swap3A_469, %swap3A_470], %broadcast_in_dim3A_12 {strides = array<i32>} : memref<16x128xf32, #tpu.memory_space<vmem>>, vector<16xf32>,
    %swap3A_472 = arith.constant 7 : i32
    %swap3A_473 = arith.index_cast %swap3A_472 : i32 to index
    %swap3A_474 = arith.constant 16 : index
    %swap3A_475 = tpu.vector_load %arg11[%swap3A_473, %swap3A_474] {strides = array<i32>} : memref<16x128xf32, #tpu.memory_space<vmem>>, vector<16xf32>,
    tpu.vector_store %arg11[%swap3A_473, %swap3A_474], %broadcast_in_dim3A_12 {strides = array<i32>} : memref<16x128xf32, #tpu.memory_space<vmem>>, vector<16xf32>,
    %swap3A_476 = arith.constant 7 : i32
    %swap3A_477 = arith.index_cast %swap3A_476 : i32 to index
    %swap3A_478 = arith.constant 32 : index
    %swap3A_479 = tpu.vector_load %arg10[%swap3A_477, %swap3A_478] {strides = array<i32>} : memref<16x128xf32, #tpu.memory_space<vmem>>, vector<16xf32>,
    tpu.vector_store %arg10[%swap3A_477, %swap3A_478], %broadcast_in_dim3A_12 {strides = array<i32>} : memref<16x128xf32, #tpu.memory_space<vmem>>, vector<16xf32>,
    %swap3A_480 = arith.constant 7 : i32
    %swap3A_481 = arith.index_cast %swap3A_480 : i32 to index
    %swap3A_482 = arith.constant 32 : index
    %swap3A_483 = tpu.vector_load %arg11[%swap3A_481, %swap3A_482] {strides = array<i32>} : memref<16x128xf32, #tpu.memory_space<vmem>>, vector<16xf32>,
    tpu.vector_store %arg11[%swap3A_481, %swap3A_482], %broadcast_in_dim3A_12 {strides = array<i32>} : memref<16x128xf32, #tpu.memory_space<vmem>>, vector<16xf32>,
    %swap3A_484 = arith.constant 7 : i32
    %swap3A_485 = arith.index_cast %swap3A_484 : i32 to index
    %swap3A_486 = arith.constant 48 : index
    %swap3A_487 = tpu.vector_load %arg10[%swap3A_485, %swap3A_486] {strides = array<i32>} : memref<16x128xf32, #tpu.memory_space<vmem>>, vector<16xf32>,
    tpu.vector_store %arg10[%swap3A_485, %swap3A_486], %broadcast_in_dim3A_12 {strides = array<i32>} : memref<16x128xf32, #tpu.memory_space<vmem>>, vector<16xf32>,
    %swap3A_488 = arith.constant 7 : i32
    %swap3A_489 = arith.index_cast %swap3A_488 : i32 to index
    %swap3A_490 = arith.constant 48 : index
    %swap3A_491 = tpu.vector_load %arg11[%swap3A_489, %swap3A_490] {strides = array<i32>} : memref<16x128xf32, #tpu.memory_space<vmem>>, vector<16xf32>,
    tpu.vector_store %arg11[%swap3A_489, %swap3A_490], %broadcast_in_dim3A_12 {strides = array<i32>} : memref<16x128xf32, #tpu.memory_space<vmem>>, vector<16xf32>,
    %swap3A_492 = arith.constant 7 : i32
    %swap3A_493 = arith.index_cast %swap3A_492 : i32 to index
    %swap3A_494 = arith.constant 64 : index
    %swap3A_495 = tpu.vector_load %arg10[%swap3A_493, %swap3A_494] {strides = array<i32>} : memref<16x128xf32, #tpu.memory_space<vmem>>, vector<16xf32>,
    tpu.vector_store %arg10[%swap3A_493, %swap3A_494], %broadcast_in_dim3A_12 {strides = array<i32>} : memref<16x128xf32, #tpu.memory_space<vmem>>, vector<16xf32>,
    %swap3A_496 = arith.constant 7 : i32
    %swap3A_497 = arith.index_cast %swap3A_496 : i32 to index
    %swap3A_498 = arith.constant 64 : index
    %swap3A_499 = tpu.vector_load %arg11[%swap3A_497, %swap3A_498] {strides = array<i32>} : memref<16x128xf32, #tpu.memory_space<vmem>>, vector<16xf32>,
    tpu.vector_store %arg11[%swap3A_497, %swap3A_498], %broadcast_in_dim3A_12 {strides = array<i32>} : memref<16x128xf32, #tpu.memory_space<vmem>>, vector<16xf32>,
    %swap3A_500 = arith.constant 7 : i32
    %swap3A_501 = arith.index_cast %swap3A_500 : i32 to index
    %swap3A_502 = arith.constant 80 : index
    %swap3A_503 = tpu.vector_load %arg10[%swap3A_501, %swap3A_502] {strides = array<i32>} : memref<16x128xf32, #tpu.memory_space<vmem>>, vector<16xf32>,
    tpu.vector_store %arg10[%swap3A_501, %swap3A_502], %broadcast_in_dim3A_12 {strides = array<i32>} : memref<16x128xf32, #tpu.memory_space<vmem>>, vector<16xf32>,
    %swap3A_504 = arith.constant 7 : i32
    %swap3A_505 = arith.index_cast %swap3A_504 : i32 to index
    %swap3A_506 = arith.constant 80 : index
    %swap3A_507 = tpu.vector_load %arg11[%swap3A_505, %swap3A_506] {strides = array<i32>} : memref<16x128xf32, #tpu.memory_space<vmem>>, vector<16xf32>,
    tpu.vector_store %arg11[%swap3A_505, %swap3A_506], %broadcast_in_dim3A_12 {strides = array<i32>} : memref<16x128xf32, #tpu.memory_space<vmem>>, vector<16xf32>,
    %swap3A_508 = arith.constant 7 : i32
    %swap3A_509 = arith.index_cast %swap3A_508 : i32 to index
    %swap3A_510 = arith.constant 96 : index
    %swap3A_511 = tpu.vector_load %arg10[%swap3A_509, %swap3A_510] {strides = array<i32>} : memref<16x128xf32, #tpu.memory_space<vmem>>, vector<16xf32>,
    tpu.vector_store %arg10[%swap3A_509, %swap3A_510], %broadcast_in_dim3A_12 {strides = array<i32>} : memref<16x128xf32, #tpu.memory_space<vmem>>, vector<16xf32>,
    %swap3A_512 = arith.constant 7 : i32
    %swap3A_513 = arith.index_cast %swap3A_512 : i32 to index
    %swap3A_514 = arith.constant 96 : index
    %swap3A_515 = tpu.vector_load %arg11[%swap3A_513, %swap3A_514] {strides = array<i32>} : memref<16x128xf32, #tpu.memory_space<vmem>>, vector<16xf32>,
    tpu.vector_store %arg11[%swap3A_513, %swap3A_514], %broadcast_in_dim3A_12 {strides = array<i32>} : memref<16x128xf32, #tpu.memory_space<vmem>>, vector<16xf32>,
    %swap3A_516 = arith.constant 7 : i32
    %swap3A_517 = arith.index_cast %swap3A_516 : i32 to index
    %swap3A_518 = arith.constant 112 : index
    %swap3A_519 = tpu.vector_load %arg10[%swap3A_517, %swap3A_518] {strides = array<i32>} : memref<16x128xf32, #tpu.memory_space<vmem>>, vector<16xf32>,
    tpu.vector_store %arg10[%swap3A_517, %swap3A_518], %broadcast_in_dim3A_12 {strides = array<i32>} : memref<16x128xf32, #tpu.memory_space<vmem>>, vector<16xf32>,
    %swap3A_520 = arith.constant 7 : i32
    %swap3A_521 = arith.index_cast %swap3A_520 : i32 to index
    %swap3A_522 = arith.constant 112 : index
    %swap3A_523 = tpu.vector_load %arg11[%swap3A_521, %swap3A_522] {strides = array<i32>} : memref<16x128xf32, #tpu.memory_space<vmem>>, vector<16xf32>,
    tpu.vector_store %arg11[%swap3A_521, %swap3A_522], %broadcast_in_dim3A_12 {strides = array<i32>} : memref<16x128xf32, #tpu.memory_space<vmem>>, vector<16xf32>,
    %swap3A_524 = arith.constant 8 : i32
    %swap3A_525 = arith.index_cast %swap3A_524 : i32 to index
    %swap3A_526 = arith.constant 0 : index
    %swap3A_527 = tpu.vector_load %arg10[%swap3A_525, %swap3A_526] {strides = array<i32>} : memref<16x128xf32, #tpu.memory_space<vmem>>, vector<16xf32>,
    tpu.vector_store %arg10[%swap3A_525, %swap3A_526], %broadcast_in_dim3A_12 {strides = array<i32>} : memref<16x128xf32, #tpu.memory_space<vmem>>, vector<16xf32>,
    %swap3A_528 = arith.constant 8 : i32
    %swap3A_529 = arith.index_cast %swap3A_528 : i32 to index
    %swap3A_530 = arith.constant 0 : index
    %swap3A_531 = tpu.vector_load %arg11[%swap3A_529, %swap3A_530] {strides = array<i32>} : memref<16x128xf32, #tpu.memory_space<vmem>>, vector<16xf32>,
    tpu.vector_store %arg11[%swap3A_529, %swap3A_530], %broadcast_in_dim3A_12 {strides = array<i32>} : memref<16x128xf32, #tpu.memory_space<vmem>>, vector<16xf32>,
    %swap3A_532 = arith.constant 8 : i32
    %swap3A_533 = arith.index_cast %swap3A_532 : i32 to index
    %swap3A_534 = arith.constant 16 : index
    %swap3A_535 = tpu.vector_load %arg10[%swap3A_533, %swap3A_534] {strides = array<i32>} : memref<16x128xf32, #tpu.memory_space<vmem>>, vector<16xf32>,
    tpu.vector_store %arg10[%swap3A_533, %swap3A_534], %broadcast_in_dim3A_12 {strides = array<i32>} : memref<16x128xf32, #tpu.memory_space<vmem>>, vector<16xf32>,
    %swap3A_536 = arith.constant 8 : i32
    %swap3A_537 = arith.index_cast %swap3A_536 : i32 to index
    %swap3A_538 = arith.constant 16 : index
    %swap3A_539 = tpu.vector_load %arg11[%swap3A_537, %swap3A_538] {strides = array<i32>} : memref<16x128xf32, #tpu.memory_space<vmem>>, vector<16xf32>,
    tpu.vector_store %arg11[%swap3A_537, %swap3A_538], %broadcast_in_dim3A_12 {strides = array<i32>} : memref<16x128xf32, #tpu.memory_space<vmem>>, vector<16xf32>,
    %swap3A_540 = arith.constant 8 : i32
    %swap3A_541 = arith.index_cast %swap3A_540 : i32 to index
    %swap3A_542 = arith.constant 32 : index
    %swap3A_543 = tpu.vector_load %arg10[%swap3A_541, %swap3A_542] {strides = array<i32>} : memref<16x128xf32, #tpu.memory_space<vmem>>, vector<16xf32>,
    tpu.vector_store %arg10[%swap3A_541, %swap3A_542], %broadcast_in_dim3A_12 {strides = array<i32>} : memref<16x128xf32, #tpu.memory_space<vmem>>, vector<16xf32>,
    %swap3A_544 = arith.constant 8 : i32
    %swap3A_545 = arith.index_cast %swap3A_544 : i32 to index
    %swap3A_546 = arith.constant 32 : index
    %swap3A_547 = tpu.vector_load %arg11[%swap3A_545, %swap3A_546] {strides = array<i32>} : memref<16x128xf32, #tpu.memory_space<vmem>>, vector<16xf32>,
    tpu.vector_store %arg11[%swap3A_545, %swap3A_546], %broadcast_in_dim3A_12 {strides = array<i32>} : memref<16x128xf32, #tpu.memory_space<vmem>>, vector<16xf32>,
    %swap3A_548 = arith.constant 8 : i32
    %swap3A_549 = arith.index_cast %swap3A_548 : i32 to index
    %swap3A_550 = arith.constant 48 : index
    %swap3A_551 = tpu.vector_load %arg10[%swap3A_549, %swap3A_550] {strides = array<i32>} : memref<16x128xf32, #tpu.memory_space<vmem>>, vector<16xf32>,
    tpu.vector_store %arg10[%swap3A_549, %swap3A_550], %broadcast_in_dim3A_12 {strides = array<i32>} : memref<16x128xf32, #tpu.memory_space<vmem>>, vector<16xf32>,
    %swap3A_552 = arith.constant 8 : i32
    %swap3A_553 = arith.index_cast %swap3A_552 : i32 to index
    %swap3A_554 = arith.constant 48 : index
    %swap3A_555 = tpu.vector_load %arg11[%swap3A_553, %swap3A_554] {strides = array<i32>} : memref<16x128xf32, #tpu.memory_space<vmem>>, vector<16xf32>,
    tpu.vector_store %arg11[%swap3A_553, %swap3A_554], %broadcast_in_dim3A_12 {strides = array<i32>} : memref<16x128xf32, #tpu.memory_space<vmem>>, vector<16xf32>,
    %swap3A_556 = arith.constant 8 : i32
    %swap3A_557 = arith.index_cast %swap3A_556 : i32 to index
    %swap3A_558 = arith.constant 64 : index
    %swap3A_559 = tpu.vector_load %arg10[%swap3A_557, %swap3A_558] {strides = array<i32>} : memref<16x128xf32, #tpu.memory_space<vmem>>, vector<16xf32>,
    tpu.vector_store %arg10[%swap3A_557, %swap3A_558], %broadcast_in_dim3A_12 {strides = array<i32>} : memref<16x128xf32, #tpu.memory_space<vmem>>, vector<16xf32>,
    %swap3A_560 = arith.constant 8 : i32
    %swap3A_561 = arith.index_cast %swap3A_560 : i32 to index
    %swap3A_562 = arith.constant 64 : index
    %swap3A_563 = tpu.vector_load %arg11[%swap3A_561, %swap3A_562] {strides = array<i32>} : memref<16x128xf32, #tpu.memory_space<vmem>>, vector<16xf32>,
    tpu.vector_store %arg11[%swap3A_561, %swap3A_562], %broadcast_in_dim3A_12 {strides = array<i32>} : memref<16x128xf32, #tpu.memory_space<vmem>>, vector<16xf32>,
    %swap3A_564 = arith.constant 8 : i32
    %swap3A_565 = arith.index_cast %swap3A_564 : i32 to index
    %swap3A_566 = arith.constant 80 : index
    %swap3A_567 = tpu.vector_load %arg10[%swap3A_565, %swap3A_566] {strides = array<i32>} : memref<16x128xf32, #tpu.memory_space<vmem>>, vector<16xf32>,
    tpu.vector_store %arg10[%swap3A_565, %swap3A_566], %broadcast_in_dim3A_12 {strides = array<i32>} : memref<16x128xf32, #tpu.memory_space<vmem>>, vector<16xf32>,
    %swap3A_568 = arith.constant 8 : i32
    %swap3A_569 = arith.index_cast %swap3A_568 : i32 to index
    %swap3A_570 = arith.constant 80 : index
    %swap3A_571 = tpu.vector_load %arg11[%swap3A_569, %swap3A_570] {strides = array<i32>} : memref<16x128xf32, #tpu.memory_space<vmem>>, vector<16xf32>,
    tpu.vector_store %arg11[%swap3A_569, %swap3A_570], %broadcast_in_dim3A_12 {strides = array<i32>} : memref<16x128xf32, #tpu.memory_space<vmem>>, vector<16xf32>,
    %swap3A_572 = arith.constant 8 : i32
    %swap3A_573 = arith.index_cast %swap3A_572 : i32 to index
    %swap3A_574 = arith.constant 96 : index
    %swap3A_575 = tpu.vector_load %arg10[%swap3A_573, %swap3A_574] {strides = array<i32>} : memref<16x128xf32, #tpu.memory_space<vmem>>, vector<16xf32>,
    tpu.vector_store %arg10[%swap3A_573, %swap3A_574], %broadcast_in_dim3A_12 {strides = array<i32>} : memref<16x128xf32, #tpu.memory_space<vmem>>, vector<16xf32>,
    %swap3A_576 = arith.constant 8 : i32
    %swap3A_577 = arith.index_cast %swap3A_576 : i32 to index
    %swap3A_578 = arith.constant 96 : index
    %swap3A_579 = tpu.vector_load %arg11[%swap3A_577, %swap3A_578] {strides = array<i32>} : memref<16x128xf32, #tpu.memory_space<vmem>>, vector<16xf32>,
    tpu.vector_store %arg11[%swap3A_577, %swap3A_578], %broadcast_in_dim3A_12 {strides = array<i32>} : memref<16x128xf32, #tpu.memory_space<vmem>>, vector<16xf32>,
    %swap3A_580 = arith.constant 8 : i32
    %swap3A_581 = arith.index_cast %swap3A_580 : i32 to index
    %swap3A_582 = arith.constant 112 : index
    %swap3A_583 = tpu.vector_load %arg10[%swap3A_581, %swap3A_582] {strides = array<i32>} : memref<16x128xf32, #tpu.memory_space<vmem>>, vector<16xf32>,
    tpu.vector_store %arg10[%swap3A_581, %swap3A_582], %broadcast_in_dim3A_12 {strides = array<i32>} : memref<16x128xf32, #tpu.memory_space<vmem>>, vector<16xf32>,
    %swap3A_584 = arith.constant 8 : i32
    %swap3A_585 = arith.index_cast %swap3A_584 : i32 to index
    %swap3A_586 = arith.constant 112 : index
    %swap3A_587 = tpu.vector_load %arg11[%swap3A_585, %swap3A_586] {strides = array<i32>} : memref<16x128xf32, #tpu.memory_space<vmem>>, vector<16xf32>,
    tpu.vector_store %arg11[%swap3A_585, %swap3A_586], %broadcast_in_dim3A_12 {strides = array<i32>} : memref<16x128xf32, #tpu.memory_space<vmem>>, vector<16xf32>,
    %swap3A_588 = arith.constant 9 : i32
    %swap3A_589 = arith.index_cast %swap3A_588 : i32 to index
    %swap3A_590 = arith.constant 0 : index
    %swap3A_591 = tpu.vector_load %arg10[%swap3A_589, %swap3A_590] {strides = array<i32>} : memref<16x128xf32, #tpu.memory_space<vmem>>, vector<16xf32>,
    tpu.vector_store %arg10[%swap3A_589, %swap3A_590], %broadcast_in_dim3A_12 {strides = array<i32>} : memref<16x128xf32, #tpu.memory_space<vmem>>, vector<16xf32>,
    %swap3A_592 = arith.constant 9 : i32
    %swap3A_593 = arith.index_cast %swap3A_592 : i32 to index
    %swap3A_594 = arith.constant 0 : index
    %swap3A_595 = tpu.vector_load %arg11[%swap3A_593, %swap3A_594] {strides = array<i32>} : memref<16x128xf32, #tpu.memory_space<vmem>>, vector<16xf32>,
    tpu.vector_store %arg11[%swap3A_593, %swap3A_594], %broadcast_in_dim3A_12 {strides = array<i32>} : memref<16x128xf32, #tpu.memory_space<vmem>>, vector<16xf32>,
    %swap3A_596 = arith.constant 9 : i32
    %swap3A_597 = arith.index_cast %swap3A_596 : i32 to index
    %swap3A_598 = arith.constant 16 : index
    %swap3A_599 = tpu.vector_load %arg10[%swap3A_597, %swap3A_598] {strides = array<i32>} : memref<16x128xf32, #tpu.memory_space<vmem>>, vector<16xf32>,
    tpu.vector_store %arg10[%swap3A_597, %swap3A_598], %broadcast_in_dim3A_12 {strides = array<i32>} : memref<16x128xf32, #tpu.memory_space<vmem>>, vector<16xf32>,
    %swap3A_600 = arith.constant 9 : i32
    %swap3A_601 = arith.index_cast %swap3A_600 : i32 to index
    %swap3A_602 = arith.constant 16 : index
    %swap3A_603 = tpu.vector_load %arg11[%swap3A_601, %swap3A_602] {strides = array<i32>} : memref<16x128xf32, #tpu.memory_space<vmem>>, vector<16xf32>,
    tpu.vector_store %arg11[%swap3A_601, %swap3A_602], %broadcast_in_dim3A_12 {strides = array<i32>} : memref<16x128xf32, #tpu.memory_space<vmem>>, vector<16xf32>,
    %swap3A_604 = arith.constant 9 : i32
    %swap3A_605 = arith.index_cast %swap3A_604 : i32 to index
    %swap3A_606 = arith.constant 32 : index
    %swap3A_607 = tpu.vector_load %arg10[%swap3A_605, %swap3A_606] {strides = array<i32>} : memref<16x128xf32, #tpu.memory_space<vmem>>, vector<16xf32>,
    tpu.vector_store %arg10[%swap3A_605, %swap3A_606], %broadcast_in_dim3A_12 {strides = array<i32>} : memref<16x128xf32, #tpu.memory_space<vmem>>, vector<16xf32>,
    %swap3A_608 = arith.constant 9 : i32
    %swap3A_609 = arith.index_cast %swap3A_608 : i32 to index
    %swap3A_610 = arith.constant 32 : index
    %swap3A_611 = tpu.vector_load %arg11[%swap3A_609, %swap3A_610] {strides = array<i32>} : memref<16x128xf32, #tpu.memory_space<vmem>>, vector<16xf32>,
    tpu.vector_store %arg11[%swap3A_609, %swap3A_610], %broadcast_in_dim3A_12 {strides = array<i32>} : memref<16x128xf32, #tpu.memory_space<vmem>>, vector<16xf32>,
    %swap3A_612 = arith.constant 9 : i32
    %swap3A_613 = arith.index_cast %swap3A_612 : i32 to index
    %swap3A_614 = arith.constant 48 : index
    %swap3A_615 = tpu.vector_load %arg10[%swap3A_613, %swap3A_614] {strides = array<i32>} : memref<16x128xf32, #tpu.memory_space<vmem>>, vector<16xf32>,
    tpu.vector_store %arg10[%swap3A_613, %swap3A_614], %broadcast_in_dim3A_12 {strides = array<i32>} : memref<16x128xf32, #tpu.memory_space<vmem>>, vector<16xf32>,
    %swap3A_616 = arith.constant 9 : i32
    %swap3A_617 = arith.index_cast %swap3A_616 : i32 to index
    %swap3A_618 = arith.constant 48 : index
    %swap3A_619 = tpu.vector_load %arg11[%swap3A_617, %swap3A_618] {strides = array<i32>} : memref<16x128xf32, #tpu.memory_space<vmem>>, vector<16xf32>,
    tpu.vector_store %arg11[%swap3A_617, %swap3A_618], %broadcast_in_dim3A_12 {strides = array<i32>} : memref<16x128xf32, #tpu.memory_space<vmem>>, vector<16xf32>,
    %swap3A_620 = arith.constant 9 : i32
    %swap3A_621 = arith.index_cast %swap3A_620 : i32 to index
    %swap3A_622 = arith.constant 64 : index
    %swap3A_623 = tpu.vector_load %arg10[%swap3A_621, %swap3A_622] {strides = array<i32>} : memref<16x128xf32, #tpu.memory_space<vmem>>, vector<16xf32>,
    tpu.vector_store %arg10[%swap3A_621, %swap3A_622], %broadcast_in_dim3A_12 {strides = array<i32>} : memref<16x128xf32, #tpu.memory_space<vmem>>, vector<16xf32>,
    %swap3A_624 = arith.constant 9 : i32
    %swap3A_625 = arith.index_cast %swap3A_624 : i32 to index
    %swap3A_626 = arith.constant 64 : index
    %swap3A_627 = tpu.vector_load %arg11[%swap3A_625, %swap3A_626] {strides = array<i32>} : memref<16x128xf32, #tpu.memory_space<vmem>>, vector<16xf32>,
    tpu.vector_store %arg11[%swap3A_625, %swap3A_626], %broadcast_in_dim3A_12 {strides = array<i32>} : memref<16x128xf32, #tpu.memory_space<vmem>>, vector<16xf32>,
    %swap3A_628 = arith.constant 9 : i32
    %swap3A_629 = arith.index_cast %swap3A_628 : i32 to index
    %swap3A_630 = arith.constant 80 : index
    %swap3A_631 = tpu.vector_load %arg10[%swap3A_629, %swap3A_630] {strides = array<i32>} : memref<16x128xf32, #tpu.memory_space<vmem>>, vector<16xf32>,
    tpu.vector_store %arg10[%swap3A_629, %swap3A_630], %broadcast_in_dim3A_12 {strides = array<i32>} : memref<16x128xf32, #tpu.memory_space<vmem>>, vector<16xf32>,
    %swap3A_632 = arith.constant 9 : i32
    %swap3A_633 = arith.index_cast %swap3A_632 : i32 to index
    %swap3A_634 = arith.constant 80 : index
    %swap3A_635 = tpu.vector_load %arg11[%swap3A_633, %swap3A_634] {strides = array<i32>} : memref<16x128xf32, #tpu.memory_space<vmem>>, vector<16xf32>,
    tpu.vector_store %arg11[%swap3A_633, %swap3A_634], %broadcast_in_dim3A_12 {strides = array<i32>} : memref<16x128xf32, #tpu.memory_space<vmem>>, vector<16xf32>,
    %swap3A_636 = arith.constant 9 : i32
    %swap3A_637 = arith.index_cast %swap3A_636 : i32 to index
    %swap3A_638 = arith.constant 96 : index
    %swap3A_639 = tpu.vector_load %arg10[%swap3A_637, %swap3A_638] {strides = array<i32>} : memref<16x128xf32, #tpu.memory_space<vmem>>, vector<16xf32>,
    tpu.vector_store %arg10[%swap3A_637, %swap3A_638], %broadcast_in_dim3A_12 {strides = array<i32>} : memref<16x128xf32, #tpu.memory_space<vmem>>, vector<16xf32>,
    %swap3A_640 = arith.constant 9 : i32
    %swap3A_641 = arith.index_cast %swap3A_640 : i32 to index
    %swap3A_642 = arith.constant 96 : index
    %swap3A_643 = tpu.vector_load %arg11[%swap3A_641, %swap3A_642] {strides = array<i32>} : memref<16x128xf32, #tpu.memory_space<vmem>>, vector<16xf32>,
    tpu.vector_store %arg11[%swap3A_641, %swap3A_642], %broadcast_in_dim3A_12 {strides = array<i32>} : memref<16x128xf32, #tpu.memory_space<vmem>>, vector<16xf32>,
    %swap3A_644 = arith.constant 9 : i32
    %swap3A_645 = arith.index_cast %swap3A_644 : i32 to index
    %swap3A_646 = arith.constant 112 : index
    %swap3A_647 = tpu.vector_load %arg10[%swap3A_645, %swap3A_646] {strides = array<i32>} : memref<16x128xf32, #tpu.memory_space<vmem>>, vector<16xf32>,
    tpu.vector_store %arg10[%swap3A_645, %swap3A_646], %broadcast_in_dim3A_12 {strides = array<i32>} : memref<16x128xf32, #tpu.memory_space<vmem>>, vector<16xf32>,
    %swap3A_648 = arith.constant 9 : i32
    %swap3A_649 = arith.index_cast %swap3A_648 : i32 to index
    %swap3A_650 = arith.constant 112 : index
    %swap3A_651 = tpu.vector_load %arg11[%swap3A_649, %swap3A_650] {strides = array<i32>} : memref<16x128xf32, #tpu.memory_space<vmem>>, vector<16xf32>,
    tpu.vector_store %arg11[%swap3A_649, %swap3A_650], %broadcast_in_dim3A_12 {strides = array<i32>} : memref<16x128xf32, #tpu.memory_space<vmem>>, vector<16xf32>,
    %swap3A_652 = arith.constant 10 : i32
    %swap3A_653 = arith.index_cast %swap3A_652 : i32 to index
    %swap3A_654 = arith.constant 0 : index
    %swap3A_655 = tpu.vector_load %arg10[%swap3A_653, %swap3A_654] {strides = array<i32>} : memref<16x128xf32, #tpu.memory_space<vmem>>, vector<16xf32>,
    tpu.vector_store %arg10[%swap3A_653, %swap3A_654], %broadcast_in_dim3A_12 {strides = array<i32>} : memref<16x128xf32, #tpu.memory_space<vmem>>, vector<16xf32>,
    %swap3A_656 = arith.constant 10 : i32
    %swap3A_657 = arith.index_cast %swap3A_656 : i32 to index
    %swap3A_658 = arith.constant 0 : index
    %swap3A_659 = tpu.vector_load %arg11[%swap3A_657, %swap3A_658] {strides = array<i32>} : memref<16x128xf32, #tpu.memory_space<vmem>>, vector<16xf32>,
    tpu.vector_store %arg11[%swap3A_657, %swap3A_658], %broadcast_in_dim3A_12 {strides = array<i32>} : memref<16x128xf32, #tpu.memory_space<vmem>>, vector<16xf32>,
    %swap3A_660 = arith.constant 10 : i32
    %swap3A_661 = arith.index_cast %swap3A_660 : i32 to index
    %swap3A_662 = arith.constant 16 : index
    %swap3A_663 = tpu.vector_load %arg10[%swap3A_661, %swap3A_662] {strides = array<i32>} : memref<16x128xf32, #tpu.memory_space<vmem>>, vector<16xf32>,
    tpu.vector_store %arg10[%swap3A_661, %swap3A_662], %broadcast_in_dim3A_12 {strides = array<i32>} : memref<16x128xf32, #tpu.memory_space<vmem>>, vector<16xf32>,
    %swap3A_664 = arith.constant 10 : i32
    %swap3A_665 = arith.index_cast %swap3A_664 : i32 to index
    %swap3A_666 = arith.constant 16 : index
    %swap3A_667 = tpu.vector_load %arg11[%swap3A_665, %swap3A_666] {strides = array<i32>} : memref<16x128xf32, #tpu.memory_space<vmem>>, vector<16xf32>,
    tpu.vector_store %arg11[%swap3A_665, %swap3A_666], %broadcast_in_dim3A_12 {strides = array<i32>} : memref<16x128xf32, #tpu.memory_space<vmem>>, vector<16xf32>,
    %swap3A_668 = arith.constant 10 : i32
    %swap3A_669 = arith.index_cast %swap3A_668 : i32 to index
    %swap3A_670 = arith.constant 32 : index
    %swap3A_671 = tpu.vector_load %arg10[%swap3A_669, %swap3A_670] {strides = array<i32>} : memref<16x128xf32, #tpu.memory_space<vmem>>, vector<16xf32>,
    tpu.vector_store %arg10[%swap3A_669, %swap3A_670], %broadcast_in_dim3A_12 {strides = array<i32>} : memref<16x128xf32, #tpu.memory_space<vmem>>, vector<16xf32>,
    %swap3A_672 = arith.constant 10 : i32
    %swap3A_673 = arith.index_cast %swap3A_672 : i32 to index
    %swap3A_674 = arith.constant 32 : index
    %swap3A_675 = tpu.vector_load %arg11[%swap3A_673, %swap3A_674] {strides = array<i32>} : memref<16x128xf32, #tpu.memory_space<vmem>>, vector<16xf32>,
    tpu.vector_store %arg11[%swap3A_673, %swap3A_674], %broadcast_in_dim3A_12 {strides = array<i32>} : memref<16x128xf32, #tpu.memory_space<vmem>>, vector<16xf32>,
    %swap3A_676 = arith.constant 10 : i32
    %swap3A_677 = arith.index_cast %swap3A_676 : i32 to index
    %swap3A_678 = arith.constant 48 : index
    %swap3A_679 = tpu.vector_load %arg10[%swap3A_677, %swap3A_678] {strides = array<i32>} : memref<16x128xf32, #tpu.memory_space<vmem>>, vector<16xf32>,
    tpu.vector_store %arg10[%swap3A_677, %swap3A_678], %broadcast_in_dim3A_12 {strides = array<i32>} : memref<16x128xf32, #tpu.memory_space<vmem>>, vector<16xf32>,
    %swap3A_680 = arith.constant 10 : i32
    %swap3A_681 = arith.index_cast %swap3A_680 : i32 to index
    %swap3A_682 = arith.constant 48 : index
    %swap3A_683 = tpu.vector_load %arg11[%swap3A_681, %swap3A_682] {strides = array<i32>} : memref<16x128xf32, #tpu.memory_space<vmem>>, vector<16xf32>,
    tpu.vector_store %arg11[%swap3A_681, %swap3A_682], %broadcast_in_dim3A_12 {strides = array<i32>} : memref<16x128xf32, #tpu.memory_space<vmem>>, vector<16xf32>,
    %swap3A_684 = arith.constant 10 : i32
    %swap3A_685 = arith.index_cast %swap3A_684 : i32 to index
    %swap3A_686 = arith.constant 64 : index
    %swap3A_687 = tpu.vector_load %arg10[%swap3A_685, %swap3A_686] {strides = array<i32>} : memref<16x128xf32, #tpu.memory_space<vmem>>, vector<16xf32>,
    tpu.vector_store %arg10[%swap3A_685, %swap3A_686], %broadcast_in_dim3A_12 {strides = array<i32>} : memref<16x128xf32, #tpu.memory_space<vmem>>, vector<16xf32>,
    %swap3A_688 = arith.constant 10 : i32
    %swap3A_689 = arith.index_cast %swap3A_688 : i32 to index
    %swap3A_690 = arith.constant 64 : index
    %swap3A_691 = tpu.vector_load %arg11[%swap3A_689, %swap3A_690] {strides = array<i32>} : memref<16x128xf32, #tpu.memory_space<vmem>>, vector<16xf32>,
    tpu.vector_store %arg11[%swap3A_689, %swap3A_690], %broadcast_in_dim3A_12 {strides = array<i32>} : memref<16x128xf32, #tpu.memory_space<vmem>>, vector<16xf32>,
    %swap3A_692 = arith.constant 10 : i32
    %swap3A_693 = arith.index_cast %swap3A_692 : i32 to index
    %swap3A_694 = arith.constant 80 : index
    %swap3A_695 = tpu.vector_load %arg10[%swap3A_693, %swap3A_694] {strides = array<i32>} : memref<16x128xf32, #tpu.memory_space<vmem>>, vector<16xf32>,
    tpu.vector_store %arg10[%swap3A_693, %swap3A_694], %broadcast_in_dim3A_12 {strides = array<i32>} : memref<16x128xf32, #tpu.memory_space<vmem>>, vector<16xf32>,
    %swap3A_696 = arith.constant 10 : i32
    %swap3A_697 = arith.index_cast %swap3A_696 : i32 to index
    %swap3A_698 = arith.constant 80 : index
    %swap3A_699 = tpu.vector_load %arg11[%swap3A_697, %swap3A_698] {strides = array<i32>} : memref<16x128xf32, #tpu.memory_space<vmem>>, vector<16xf32>,
    tpu.vector_store %arg11[%swap3A_697, %swap3A_698], %broadcast_in_dim3A_12 {strides = array<i32>} : memref<16x128xf32, #tpu.memory_space<vmem>>, vector<16xf32>,
    %swap3A_700 = arith.constant 10 : i32
    %swap3A_701 = arith.index_cast %swap3A_700 : i32 to index
    %swap3A_702 = arith.constant 96 : index
    %swap3A_703 = tpu.vector_load %arg10[%swap3A_701, %swap3A_702] {strides = array<i32>} : memref<16x128xf32, #tpu.memory_space<vmem>>, vector<16xf32>,
    tpu.vector_store %arg10[%swap3A_701, %swap3A_702], %broadcast_in_dim3A_12 {strides = array<i32>} : memref<16x128xf32, #tpu.memory_space<vmem>>, vector<16xf32>,
    %swap3A_704 = arith.constant 10 : i32
    %swap3A_705 = arith.index_cast %swap3A_704 : i32 to index
    %swap3A_706 = arith.constant 96 : index
    %swap3A_707 = tpu.vector_load %arg11[%swap3A_705, %swap3A_706] {strides = array<i32>} : memref<16x128xf32, #tpu.memory_space<vmem>>, vector<16xf32>,
    tpu.vector_store %arg11[%swap3A_705, %swap3A_706], %broadcast_in_dim3A_12 {strides = array<i32>} : memref<16x128xf32, #tpu.memory_space<vmem>>, vector<16xf32>,
    %swap3A_708 = arith.constant 10 : i32
    %swap3A_709 = arith.index_cast %swap3A_708 : i32 to index
    %swap3A_710 = arith.constant 112 : index
    %swap3A_711 = tpu.vector_load %arg10[%swap3A_709, %swap3A_710] {strides = array<i32>} : memref<16x128xf32, #tpu.memory_space<vmem>>, vector<16xf32>,
    tpu.vector_store %arg10[%swap3A_709, %swap3A_710], %broadcast_in_dim3A_12 {strides = array<i32>} : memref<16x128xf32, #tpu.memory_space<vmem>>, vector<16xf32>,
    %swap3A_712 = arith.constant 10 : i32
    %swap3A_713 = arith.index_cast %swap3A_712 : i32 to index
    %swap3A_714 = arith.constant 112 : index
    %swap3A_715 = tpu.vector_load %arg11[%swap3A_713, %swap3A_714] {strides = array<i32>} : memref<16x128xf32, #tpu.memory_space<vmem>>, vector<16xf32>,
    tpu.vector_store %arg11[%swap3A_713, %swap3A_714], %broadcast_in_dim3A_12 {strides = array<i32>} : memref<16x128xf32, #tpu.memory_space<vmem>>, vector<16xf32>,
    %swap3A_716 = arith.constant 11 : i32
    %swap3A_717 = arith.index_cast %swap3A_716 : i32 to index
    %swap3A_718 = arith.constant 0 : index
    %swap3A_719 = tpu.vector_load %arg10[%swap3A_717, %swap3A_718] {strides = array<i32>} : memref<16x128xf32, #tpu.memory_space<vmem>>, vector<16xf32>,
    tpu.vector_store %arg10[%swap3A_717, %swap3A_718], %broadcast_in_dim3A_12 {strides = array<i32>} : memref<16x128xf32, #tpu.memory_space<vmem>>, vector<16xf32>,
    %swap3A_720 = arith.constant 11 : i32
    %swap3A_721 = arith.index_cast %swap3A_720 : i32 to index
    %swap3A_722 = arith.constant 0 : index
    %swap3A_723 = tpu.vector_load %arg11[%swap3A_721, %swap3A_722] {strides = array<i32>} : memref<16x128xf32, #tpu.memory_space<vmem>>, vector<16xf32>,
    tpu.vector_store %arg11[%swap3A_721, %swap3A_722], %broadcast_in_dim3A_12 {strides = array<i32>} : memref<16x128xf32, #tpu.memory_space<vmem>>, vector<16xf32>,
    %swap3A_724 = arith.constant 11 : i32
    %swap3A_725 = arith.index_cast %swap3A_724 : i32 to index
    %swap3A_726 = arith.constant 16 : index
    %swap3A_727 = tpu.vector_load %arg10[%swap3A_725, %swap3A_726] {strides = array<i32>} : memref<16x128xf32, #tpu.memory_space<vmem>>, vector<16xf32>,
    tpu.vector_store %arg10[%swap3A_725, %swap3A_726], %broadcast_in_dim3A_12 {strides = array<i32>} : memref<16x128xf32, #tpu.memory_space<vmem>>, vector<16xf32>,
    %swap3A_728 = arith.constant 11 : i32
    %swap3A_729 = arith.index_cast %swap3A_728 : i32 to index
    %swap3A_730 = arith.constant 16 : index
    %swap3A_731 = tpu.vector_load %arg11[%swap3A_729, %swap3A_730] {strides = array<i32>} : memref<16x128xf32, #tpu.memory_space<vmem>>, vector<16xf32>,
    tpu.vector_store %arg11[%swap3A_729, %swap3A_730], %broadcast_in_dim3A_12 {strides = array<i32>} : memref<16x128xf32, #tpu.memory_space<vmem>>, vector<16xf32>,
    %swap3A_732 = arith.constant 11 : i32
    %swap3A_733 = arith.index_cast %swap3A_732 : i32 to index
    %swap3A_734 = arith.constant 32 : index
    %swap3A_735 = tpu.vector_load %arg10[%swap3A_733, %swap3A_734] {strides = array<i32>} : memref<16x128xf32, #tpu.memory_space<vmem>>, vector<16xf32>,
    tpu.vector_store %arg10[%swap3A_733, %swap3A_734], %broadcast_in_dim3A_12 {strides = array<i32>} : memref<16x128xf32, #tpu.memory_space<vmem>>, vector<16xf32>,
    %swap3A_736 = arith.constant 11 : i32
    %swap3A_737 = arith.index_cast %swap3A_736 : i32 to index
    %swap3A_738 = arith.constant 32 : index
    %swap3A_739 = tpu.vector_load %arg11[%swap3A_737, %swap3A_738] {strides = array<i32>} : memref<16x128xf32, #tpu.memory_space<vmem>>, vector<16xf32>,
    tpu.vector_store %arg11[%swap3A_737, %swap3A_738], %broadcast_in_dim3A_12 {strides = array<i32>} : memref<16x128xf32, #tpu.memory_space<vmem>>, vector<16xf32>,
    %swap3A_740 = arith.constant 11 : i32
    %swap3A_741 = arith.index_cast %swap3A_740 : i32 to index
    %swap3A_742 = arith.constant 48 : index
    %swap3A_743 = tpu.vector_load %arg10[%swap3A_741, %swap3A_742] {strides = array<i32>} : memref<16x128xf32, #tpu.memory_space<vmem>>, vector<16xf32>,
    tpu.vector_store %arg10[%swap3A_741, %swap3A_742], %broadcast_in_dim3A_12 {strides = array<i32>} : memref<16x128xf32, #tpu.memory_space<vmem>>, vector<16xf32>,
    %swap3A_744 = arith.constant 11 : i32
    %swap3A_745 = arith.index_cast %swap3A_744 : i32 to index
    %swap3A_746 = arith.constant 48 : index
    %swap3A_747 = tpu.vector_load %arg11[%swap3A_745, %swap3A_746] {strides = array<i32>} : memref<16x128xf32, #tpu.memory_space<vmem>>, vector<16xf32>,
    tpu.vector_store %arg11[%swap3A_745, %swap3A_746], %broadcast_in_dim3A_12 {strides = array<i32>} : memref<16x128xf32, #tpu.memory_space<vmem>>, vector<16xf32>,
    %swap3A_748 = arith.constant 11 : i32
    %swap3A_749 = arith.index_cast %swap3A_748 : i32 to index
    %swap3A_750 = arith.constant 64 : index
    %swap3A_751 = tpu.vector_load %arg10[%swap3A_749, %swap3A_750] {strides = array<i32>} : memref<16x128xf32, #tpu.memory_space<vmem>>, vector<16xf32>,
    tpu.vector_store %arg10[%swap3A_749, %swap3A_750], %broadcast_in_dim3A_12 {strides = array<i32>} : memref<16x128xf32, #tpu.memory_space<vmem>>, vector<16xf32>,
    %swap3A_752 = arith.constant 11 : i32
    %swap3A_753 = arith.index_cast %swap3A_752 : i32 to index
    %swap3A_754 = arith.constant 64 : index
    %swap3A_755 = tpu.vector_load %arg11[%swap3A_753, %swap3A_754] {strides = array<i32>} : memref<16x128xf32, #tpu.memory_space<vmem>>, vector<16xf32>,
    tpu.vector_store %arg11[%swap3A_753, %swap3A_754], %broadcast_in_dim3A_12 {strides = array<i32>} : memref<16x128xf32, #tpu.memory_space<vmem>>, vector<16xf32>,
    %swap3A_756 = arith.constant 11 : i32
    %swap3A_757 = arith.index_cast %swap3A_756 : i32 to index
    %swap3A_758 = arith.constant 80 : index
    %swap3A_759 = tpu.vector_load %arg10[%swap3A_757, %swap3A_758] {strides = array<i32>} : memref<16x128xf32, #tpu.memory_space<vmem>>, vector<16xf32>,
    tpu.vector_store %arg10[%swap3A_757, %swap3A_758], %broadcast_in_dim3A_12 {strides = array<i32>} : memref<16x128xf32, #tpu.memory_space<vmem>>, vector<16xf32>,
    %swap3A_760 = arith.constant 11 : i32
    %swap3A_761 = arith.index_cast %swap3A_760 : i32 to index
    %swap3A_762 = arith.constant 80 : index
    %swap3A_763 = tpu.vector_load %arg11[%swap3A_761, %swap3A_762] {strides = array<i32>} : memref<16x128xf32, #tpu.memory_space<vmem>>, vector<16xf32>,
    tpu.vector_store %arg11[%swap3A_761, %swap3A_762], %broadcast_in_dim3A_12 {strides = array<i32>} : memref<16x128xf32, #tpu.memory_space<vmem>>, vector<16xf32>,
    %swap3A_764 = arith.constant 11 : i32
    %swap3A_765 = arith.index_cast %swap3A_764 : i32 to index
    %swap3A_766 = arith.constant 96 : index
    %swap3A_767 = tpu.vector_load %arg10[%swap3A_765, %swap3A_766] {strides = array<i32>} : memref<16x128xf32, #tpu.memory_space<vmem>>, vector<16xf32>,
    tpu.vector_store %arg10[%swap3A_765, %swap3A_766], %broadcast_in_dim3A_12 {strides = array<i32>} : memref<16x128xf32, #tpu.memory_space<vmem>>, vector<16xf32>,
    %swap3A_768 = arith.constant 11 : i32
    %swap3A_769 = arith.index_cast %swap3A_768 : i32 to index
    %swap3A_770 = arith.constant 96 : index
    %swap3A_771 = tpu.vector_load %arg11[%swap3A_769, %swap3A_770] {strides = array<i32>} : memref<16x128xf32, #tpu.memory_space<vmem>>, vector<16xf32>,
    tpu.vector_store %arg11[%swap3A_769, %swap3A_770], %broadcast_in_dim3A_12 {strides = array<i32>} : memref<16x128xf32, #tpu.memory_space<vmem>>, vector<16xf32>,
    %swap3A_772 = arith.constant 11 : i32
    %swap3A_773 = arith.index_cast %swap3A_772 : i32 to index
    %swap3A_774 = arith.constant 112 : index
    %swap3A_775 = tpu.vector_load %arg10[%swap3A_773, %swap3A_774] {strides = array<i32>} : memref<16x128xf32, #tpu.memory_space<vmem>>, vector<16xf32>,
    tpu.vector_store %arg10[%swap3A_773, %swap3A_774], %broadcast_in_dim3A_12 {strides = array<i32>} : memref<16x128xf32, #tpu.memory_space<vmem>>, vector<16xf32>,
    %swap3A_776 = arith.constant 11 : i32
    %swap3A_777 = arith.index_cast %swap3A_776 : i32 to index
    %swap3A_778 = arith.constant 112 : index
    %swap3A_779 = tpu.vector_load %arg11[%swap3A_777, %swap3A_778] {strides = array<i32>} : memref<16x128xf32, #tpu.memory_space<vmem>>, vector<16xf32>,
    tpu.vector_store %arg11[%swap3A_777, %swap3A_778], %broadcast_in_dim3A_12 {strides = array<i32>} : memref<16x128xf32, #tpu.memory_space<vmem>>, vector<16xf32>,
    %swap3A_780 = arith.constant 12 : i32
    %swap3A_781 = arith.index_cast %swap3A_780 : i32 to index
    %swap3A_782 = arith.constant 0 : index
    %swap3A_783 = tpu.vector_load %arg10[%swap3A_781, %swap3A_782] {strides = array<i32>} : memref<16x128xf32, #tpu.memory_space<vmem>>, vector<16xf32>,
    tpu.vector_store %arg10[%swap3A_781, %swap3A_782], %broadcast_in_dim3A_12 {strides = array<i32>} : memref<16x128xf32, #tpu.memory_space<vmem>>, vector<16xf32>,
    %swap3A_784 = arith.constant 12 : i32
    %swap3A_785 = arith.index_cast %swap3A_784 : i32 to index
    %swap3A_786 = arith.constant 0 : index
    %swap3A_787 = tpu.vector_load %arg11[%swap3A_785, %swap3A_786] {strides = array<i32>} : memref<16x128xf32, #tpu.memory_space<vmem>>, vector<16xf32>,
    tpu.vector_store %arg11[%swap3A_785, %swap3A_786], %broadcast_in_dim3A_12 {strides = array<i32>} : memref<16x128xf32, #tpu.memory_space<vmem>>, vector<16xf32>,
    %swap3A_788 = arith.constant 12 : i32
    %swap3A_789 = arith.index_cast %swap3A_788 : i32 to index
    %swap3A_790 = arith.constant 16 : index
    %swap3A_791 = tpu.vector_load %arg10[%swap3A_789, %swap3A_790] {strides = array<i32>} : memref<16x128xf32, #tpu.memory_space<vmem>>, vector<16xf32>,
    tpu.vector_store %arg10[%swap3A_789, %swap3A_790], %broadcast_in_dim3A_12 {strides = array<i32>} : memref<16x128xf32, #tpu.memory_space<vmem>>, vector<16xf32>,
    %swap3A_792 = arith.constant 12 : i32
    %swap3A_793 = arith.index_cast %swap3A_792 : i32 to index
    %swap3A_794 = arith.constant 16 : index
    %swap3A_795 = tpu.vector_load %arg11[%swap3A_793, %swap3A_794] {strides = array<i32>} : memref<16x128xf32, #tpu.memory_space<vmem>>, vector<16xf32>,
    tpu.vector_store %arg11[%swap3A_793, %swap3A_794], %broadcast_in_dim3A_12 {strides = array<i32>} : memref<16x128xf32, #tpu.memory_space<vmem>>, vector<16xf32>,
    %swap3A_796 = arith.constant 12 : i32
    %swap3A_797 = arith.index_cast %swap3A_796 : i32 to index
    %swap3A_798 = arith.constant 32 : index
    %swap3A_799 = tpu.vector_load %arg10[%swap3A_797, %swap3A_798] {strides = array<i32>} : memref<16x128xf32, #tpu.memory_space<vmem>>, vector<16xf32>,
    tpu.vector_store %arg10[%swap3A_797, %swap3A_798], %broadcast_in_dim3A_12 {strides = array<i32>} : memref<16x128xf32, #tpu.memory_space<vmem>>, vector<16xf32>,
    %swap3A_800 = arith.constant 12 : i32
    %swap3A_801 = arith.index_cast %swap3A_800 : i32 to index
    %swap3A_802 = arith.constant 32 : index
    %swap3A_803 = tpu.vector_load %arg11[%swap3A_801, %swap3A_802] {strides = array<i32>} : memref<16x128xf32, #tpu.memory_space<vmem>>, vector<16xf32>,
    tpu.vector_store %arg11[%swap3A_801, %swap3A_802], %broadcast_in_dim3A_12 {strides = array<i32>} : memref<16x128xf32, #tpu.memory_space<vmem>>, vector<16xf32>,
    %swap3A_804 = arith.constant 12 : i32
    %swap3A_805 = arith.index_cast %swap3A_804 : i32 to index
    %swap3A_806 = arith.constant 48 : index
    %swap3A_807 = tpu.vector_load %arg10[%swap3A_805, %swap3A_806] {strides = array<i32>} : memref<16x128xf32, #tpu.memory_space<vmem>>, vector<16xf32>,
    tpu.vector_store %arg10[%swap3A_805, %swap3A_806], %broadcast_in_dim3A_12 {strides = array<i32>} : memref<16x128xf32, #tpu.memory_space<vmem>>, vector<16xf32>,
    %swap3A_808 = arith.constant 12 : i32
    %swap3A_809 = arith.index_cast %swap3A_808 : i32 to index
    %swap3A_810 = arith.constant 48 : index
    %swap3A_811 = tpu.vector_load %arg11[%swap3A_809, %swap3A_810] {strides = array<i32>} : memref<16x128xf32, #tpu.memory_space<vmem>>, vector<16xf32>,
    tpu.vector_store %arg11[%swap3A_809, %swap3A_810], %broadcast_in_dim3A_12 {strides = array<i32>} : memref<16x128xf32, #tpu.memory_space<vmem>>, vector<16xf32>,
    %swap3A_812 = arith.constant 12 : i32
    %swap3A_813 = arith.index_cast %swap3A_812 : i32 to index
    %swap3A_814 = arith.constant 64 : index
    %swap3A_815 = tpu.vector_load %arg10[%swap3A_813, %swap3A_814] {strides = array<i32>} : memref<16x128xf32, #tpu.memory_space<vmem>>, vector<16xf32>,
    tpu.vector_store %arg10[%swap3A_813, %swap3A_814], %broadcast_in_dim3A_12 {strides = array<i32>} : memref<16x128xf32, #tpu.memory_space<vmem>>, vector<16xf32>,
    %swap3A_816 = arith.constant 12 : i32
    %swap3A_817 = arith.index_cast %swap3A_816 : i32 to index
    %swap3A_818 = arith.constant 64 : index
    %swap3A_819 = tpu.vector_load %arg11[%swap3A_817, %swap3A_818] {strides = array<i32>} : memref<16x128xf32, #tpu.memory_space<vmem>>, vector<16xf32>,
    tpu.vector_store %arg11[%swap3A_817, %swap3A_818], %broadcast_in_dim3A_12 {strides = array<i32>} : memref<16x128xf32, #tpu.memory_space<vmem>>, vector<16xf32>,
    %swap3A_820 = arith.constant 12 : i32
    %swap3A_821 = arith.index_cast %swap3A_820 : i32 to index
    %swap3A_822 = arith.constant 80 : index
    %swap3A_823 = tpu.vector_load %arg10[%swap3A_821, %swap3A_822] {strides = array<i32>} : memref<16x128xf32, #tpu.memory_space<vmem>>, vector<16xf32>,
    tpu.vector_store %arg10[%swap3A_821, %swap3A_822], %broadcast_in_dim3A_12 {strides = array<i32>} : memref<16x128xf32, #tpu.memory_space<vmem>>, vector<16xf32>,
    %swap3A_824 = arith.constant 12 : i32
    %swap3A_825 = arith.index_cast %swap3A_824 : i32 to index
    %swap3A_826 = arith.constant 80 : index
    %swap3A_827 = tpu.vector_load %arg11[%swap3A_825, %swap3A_826] {strides = array<i32>} : memref<16x128xf32, #tpu.memory_space<vmem>>, vector<16xf32>,
    tpu.vector_store %arg11[%swap3A_825, %swap3A_826], %broadcast_in_dim3A_12 {strides = array<i32>} : memref<16x128xf32, #tpu.memory_space<vmem>>, vector<16xf32>,
    %swap3A_828 = arith.constant 12 : i32
    %swap3A_829 = arith.index_cast %swap3A_828 : i32 to index
    %swap3A_830 = arith.constant 96 : index
    %swap3A_831 = tpu.vector_load %arg10[%swap3A_829, %swap3A_830] {strides = array<i32>} : memref<16x128xf32, #tpu.memory_space<vmem>>, vector<16xf32>,
    tpu.vector_store %arg10[%swap3A_829, %swap3A_830], %broadcast_in_dim3A_12 {strides = array<i32>} : memref<16x128xf32, #tpu.memory_space<vmem>>, vector<16xf32>,
    %swap3A_832 = arith.constant 12 : i32
    %swap3A_833 = arith.index_cast %swap3A_832 : i32 to index
    %swap3A_834 = arith.constant 96 : index
    %swap3A_835 = tpu.vector_load %arg11[%swap3A_833, %swap3A_834] {strides = array<i32>} : memref<16x128xf32, #tpu.memory_space<vmem>>, vector<16xf32>,
    tpu.vector_store %arg11[%swap3A_833, %swap3A_834], %broadcast_in_dim3A_12 {strides = array<i32>} : memref<16x128xf32, #tpu.memory_space<vmem>>, vector<16xf32>,
    %swap3A_836 = arith.constant 12 : i32
    %swap3A_837 = arith.index_cast %swap3A_836 : i32 to index
    %swap3A_838 = arith.constant 112 : index
    %swap3A_839 = tpu.vector_load %arg10[%swap3A_837, %swap3A_838] {strides = array<i32>} : memref<16x128xf32, #tpu.memory_space<vmem>>, vector<16xf32>,
    tpu.vector_store %arg10[%swap3A_837, %swap3A_838], %broadcast_in_dim3A_12 {strides = array<i32>} : memref<16x128xf32, #tpu.memory_space<vmem>>, vector<16xf32>,
    %swap3A_840 = arith.constant 12 : i32
    %swap3A_841 = arith.index_cast %swap3A_840 : i32 to index
    %swap3A_842 = arith.constant 112 : index
    %swap3A_843 = tpu.vector_load %arg11[%swap3A_841, %swap3A_842] {strides = array<i32>} : memref<16x128xf32, #tpu.memory_space<vmem>>, vector<16xf32>,
    tpu.vector_store %arg11[%swap3A_841, %swap3A_842], %broadcast_in_dim3A_12 {strides = array<i32>} : memref<16x128xf32, #tpu.memory_space<vmem>>, vector<16xf32>,
    %swap3A_844 = arith.constant 13 : i32
    %swap3A_845 = arith.index_cast %swap3A_844 : i32 to index
    %swap3A_846 = arith.constant 0 : index
    %swap3A_847 = tpu.vector_load %arg10[%swap3A_845, %swap3A_846] {strides = array<i32>} : memref<16x128xf32, #tpu.memory_space<vmem>>, vector<16xf32>,
    tpu.vector_store %arg10[%swap3A_845, %swap3A_846], %broadcast_in_dim3A_12 {strides = array<i32>} : memref<16x128xf32, #tpu.memory_space<vmem>>, vector<16xf32>,
    %swap3A_848 = arith.constant 13 : i32
    %swap3A_849 = arith.index_cast %swap3A_848 : i32 to index
    %swap3A_850 = arith.constant 0 : index
    %swap3A_851 = tpu.vector_load %arg11[%swap3A_849, %swap3A_850] {strides = array<i32>} : memref<16x128xf32, #tpu.memory_space<vmem>>, vector<16xf32>,
    tpu.vector_store %arg11[%swap3A_849, %swap3A_850], %broadcast_in_dim3A_12 {strides = array<i32>} : memref<16x128xf32, #tpu.memory_space<vmem>>, vector<16xf32>,
    %swap3A_852 = arith.constant 13 : i32
    %swap3A_853 = arith.index_cast %swap3A_852 : i32 to index
    %swap3A_854 = arith.constant 16 : index
    %swap3A_855 = tpu.vector_load %arg10[%swap3A_853, %swap3A_854] {strides = array<i32>} : memref<16x128xf32, #tpu.memory_space<vmem>>, vector<16xf32>,
    tpu.vector_store %arg10[%swap3A_853, %swap3A_854], %broadcast_in_dim3A_12 {strides = array<i32>} : memref<16x128xf32, #tpu.memory_space<vmem>>, vector<16xf32>,
    %swap3A_856 = arith.constant 13 : i32
    %swap3A_857 = arith.index_cast %swap3A_856 : i32 to index
    %swap3A_858 = arith.constant 16 : index
    %swap3A_859 = tpu.vector_load %arg11[%swap3A_857, %swap3A_858] {strides = array<i32>} : memref<16x128xf32, #tpu.memory_space<vmem>>, vector<16xf32>,
    tpu.vector_store %arg11[%swap3A_857, %swap3A_858], %broadcast_in_dim3A_12 {strides = array<i32>} : memref<16x128xf32, #tpu.memory_space<vmem>>, vector<16xf32>,
    %swap3A_860 = arith.constant 13 : i32
    %swap3A_861 = arith.index_cast %swap3A_860 : i32 to index
    %swap3A_862 = arith.constant 32 : index
    %swap3A_863 = tpu.vector_load %arg10[%swap3A_861, %swap3A_862] {strides = array<i32>} : memref<16x128xf32, #tpu.memory_space<vmem>>, vector<16xf32>,
    tpu.vector_store %arg10[%swap3A_861, %swap3A_862], %broadcast_in_dim3A_12 {strides = array<i32>} : memref<16x128xf32, #tpu.memory_space<vmem>>, vector<16xf32>,
    %swap3A_864 = arith.constant 13 : i32
    %swap3A_865 = arith.index_cast %swap3A_864 : i32 to index
    %swap3A_866 = arith.constant 32 : index
    %swap3A_867 = tpu.vector_load %arg11[%swap3A_865, %swap3A_866] {strides = array<i32>} : memref<16x128xf32, #tpu.memory_space<vmem>>, vector<16xf32>,
    tpu.vector_store %arg11[%swap3A_865, %swap3A_866], %broadcast_in_dim3A_12 {strides = array<i32>} : memref<16x128xf32, #tpu.memory_space<vmem>>, vector<16xf32>,
    %swap3A_868 = arith.constant 13 : i32
    %swap3A_869 = arith.index_cast %swap3A_868 : i32 to index
    %swap3A_870 = arith.constant 48 : index
    %swap3A_871 = tpu.vector_load %arg10[%swap3A_869, %swap3A_870] {strides = array<i32>} : memref<16x128xf32, #tpu.memory_space<vmem>>, vector<16xf32>,
    tpu.vector_store %arg10[%swap3A_869, %swap3A_870], %broadcast_in_dim3A_12 {strides = array<i32>} : memref<16x128xf32, #tpu.memory_space<vmem>>, vector<16xf32>,
    %swap3A_872 = arith.constant 13 : i32
    %swap3A_873 = arith.index_cast %swap3A_872 : i32 to index
    %swap3A_874 = arith.constant 48 : index
    %swap3A_875 = tpu.vector_load %arg11[%swap3A_873, %swap3A_874] {strides = array<i32>} : memref<16x128xf32, #tpu.memory_space<vmem>>, vector<16xf32>,
    tpu.vector_store %arg11[%swap3A_873, %swap3A_874], %broadcast_in_dim3A_12 {strides = array<i32>} : memref<16x128xf32, #tpu.memory_space<vmem>>, vector<16xf32>,
    %swap3A_876 = arith.constant 13 : i32
    %swap3A_877 = arith.index_cast %swap3A_876 : i32 to index
    %swap3A_878 = arith.constant 64 : index
    %swap3A_879 = tpu.vector_load %arg10[%swap3A_877, %swap3A_878] {strides = array<i32>} : memref<16x128xf32, #tpu.memory_space<vmem>>, vector<16xf32>,
    tpu.vector_store %arg10[%swap3A_877, %swap3A_878], %broadcast_in_dim3A_12 {strides = array<i32>} : memref<16x128xf32, #tpu.memory_space<vmem>>, vector<16xf32>,
    %swap3A_880 = arith.constant 13 : i32
    %swap3A_881 = arith.index_cast %swap3A_880 : i32 to index
    %swap3A_882 = arith.constant 64 : index
    %swap3A_883 = tpu.vector_load %arg11[%swap3A_881, %swap3A_882] {strides = array<i32>} : memref<16x128xf32, #tpu.memory_space<vmem>>, vector<16xf32>,
    tpu.vector_store %arg11[%swap3A_881, %swap3A_882], %broadcast_in_dim3A_12 {strides = array<i32>} : memref<16x128xf32, #tpu.memory_space<vmem>>, vector<16xf32>,
    %swap3A_884 = arith.constant 13 : i32
    %swap3A_885 = arith.index_cast %swap3A_884 : i32 to index
    %swap3A_886 = arith.constant 80 : index
    %swap3A_887 = tpu.vector_load %arg10[%swap3A_885, %swap3A_886] {strides = array<i32>} : memref<16x128xf32, #tpu.memory_space<vmem>>, vector<16xf32>,
    tpu.vector_store %arg10[%swap3A_885, %swap3A_886], %broadcast_in_dim3A_12 {strides = array<i32>} : memref<16x128xf32, #tpu.memory_space<vmem>>, vector<16xf32>,
    %swap3A_888 = arith.constant 13 : i32
    %swap3A_889 = arith.index_cast %swap3A_888 : i32 to index
    %swap3A_890 = arith.constant 80 : index
    %swap3A_891 = tpu.vector_load %arg11[%swap3A_889, %swap3A_890] {strides = array<i32>} : memref<16x128xf32, #tpu.memory_space<vmem>>, vector<16xf32>,
    tpu.vector_store %arg11[%swap3A_889, %swap3A_890], %broadcast_in_dim3A_12 {strides = array<i32>} : memref<16x128xf32, #tpu.memory_space<vmem>>, vector<16xf32>,
    %swap3A_892 = arith.constant 13 : i32
    %swap3A_893 = arith.index_cast %swap3A_892 : i32 to index
    %swap3A_894 = arith.constant 96 : index
    %swap3A_895 = tpu.vector_load %arg10[%swap3A_893, %swap3A_894] {strides = array<i32>} : memref<16x128xf32, #tpu.memory_space<vmem>>, vector<16xf32>,
    tpu.vector_store %arg10[%swap3A_893, %swap3A_894], %broadcast_in_dim3A_12 {strides = array<i32>} : memref<16x128xf32, #tpu.memory_space<vmem>>, vector<16xf32>,
    %swap3A_896 = arith.constant 13 : i32
    %swap3A_897 = arith.index_cast %swap3A_896 : i32 to index
    %swap3A_898 = arith.constant 96 : index
    %swap3A_899 = tpu.vector_load %arg11[%swap3A_897, %swap3A_898] {strides = array<i32>} : memref<16x128xf32, #tpu.memory_space<vmem>>, vector<16xf32>,
    tpu.vector_store %arg11[%swap3A_897, %swap3A_898], %broadcast_in_dim3A_12 {strides = array<i32>} : memref<16x128xf32, #tpu.memory_space<vmem>>, vector<16xf32>,
    %swap3A_900 = arith.constant 13 : i32
    %swap3A_901 = arith.index_cast %swap3A_900 : i32 to index
    %swap3A_902 = arith.constant 112 : index
    %swap3A_903 = tpu.vector_load %arg10[%swap3A_901, %swap3A_902] {strides = array<i32>} : memref<16x128xf32, #tpu.memory_space<vmem>>, vector<16xf32>,
    tpu.vector_store %arg10[%swap3A_901, %swap3A_902], %broadcast_in_dim3A_12 {strides = array<i32>} : memref<16x128xf32, #tpu.memory_space<vmem>>, vector<16xf32>,
    %swap3A_904 = arith.constant 13 : i32
    %swap3A_905 = arith.index_cast %swap3A_904 : i32 to index
    %swap3A_906 = arith.constant 112 : index
    %swap3A_907 = tpu.vector_load %arg11[%swap3A_905, %swap3A_906] {strides = array<i32>} : memref<16x128xf32, #tpu.memory_space<vmem>>, vector<16xf32>,
    tpu.vector_store %arg11[%swap3A_905, %swap3A_906], %broadcast_in_dim3A_12 {strides = array<i32>} : memref<16x128xf32, #tpu.memory_space<vmem>>, vector<16xf32>,
    %swap3A_908 = arith.constant 14 : i32
    %swap3A_909 = arith.index_cast %swap3A_908 : i32 to index
    %swap3A_910 = arith.constant 0 : index
    %swap3A_911 = tpu.vector_load %arg10[%swap3A_909, %swap3A_910] {strides = array<i32>} : memref<16x128xf32, #tpu.memory_space<vmem>>, vector<16xf32>,
    tpu.vector_store %arg10[%swap3A_909, %swap3A_910], %broadcast_in_dim3A_12 {strides = array<i32>} : memref<16x128xf32, #tpu.memory_space<vmem>>, vector<16xf32>,
    %swap3A_912 = arith.constant 14 : i32
    %swap3A_913 = arith.index_cast %swap3A_912 : i32 to index
    %swap3A_914 = arith.constant 0 : index
    %swap3A_915 = tpu.vector_load %arg11[%swap3A_913, %swap3A_914] {strides = array<i32>} : memref<16x128xf32, #tpu.memory_space<vmem>>, vector<16xf32>,
    tpu.vector_store %arg11[%swap3A_913, %swap3A_914], %broadcast_in_dim3A_12 {strides = array<i32>} : memref<16x128xf32, #tpu.memory_space<vmem>>, vector<16xf32>,
    %swap3A_916 = arith.constant 14 : i32
    %swap3A_917 = arith.index_cast %swap3A_916 : i32 to index
    %swap3A_918 = arith.constant 16 : index
    %swap3A_919 = tpu.vector_load %arg10[%swap3A_917, %swap3A_918] {strides = array<i32>} : memref<16x128xf32, #tpu.memory_space<vmem>>, vector<16xf32>,
    tpu.vector_store %arg10[%swap3A_917, %swap3A_918], %broadcast_in_dim3A_12 {strides = array<i32>} : memref<16x128xf32, #tpu.memory_space<vmem>>, vector<16xf32>,
    %swap3A_920 = arith.constant 14 : i32
    %swap3A_921 = arith.index_cast %swap3A_920 : i32 to index
    %swap3A_922 = arith.constant 16 : index
    %swap3A_923 = tpu.vector_load %arg11[%swap3A_921, %swap3A_922] {strides = array<i32>} : memref<16x128xf32, #tpu.memory_space<vmem>>, vector<16xf32>,
    tpu.vector_store %arg11[%swap3A_921, %swap3A_922], %broadcast_in_dim3A_12 {strides = array<i32>} : memref<16x128xf32, #tpu.memory_space<vmem>>, vector<16xf32>,
    %swap3A_924 = arith.constant 14 : i32
    %swap3A_925 = arith.index_cast %swap3A_924 : i32 to index
    %swap3A_926 = arith.constant 32 : index
    %swap3A_927 = tpu.vector_load %arg10[%swap3A_925, %swap3A_926] {strides = array<i32>} : memref<16x128xf32, #tpu.memory_space<vmem>>, vector<16xf32>,
    tpu.vector_store %arg10[%swap3A_925, %swap3A_926], %broadcast_in_dim3A_12 {strides = array<i32>} : memref<16x128xf32, #tpu.memory_space<vmem>>, vector<16xf32>,
    %swap3A_928 = arith.constant 14 : i32
    %swap3A_929 = arith.index_cast %swap3A_928 : i32 to index
    %swap3A_930 = arith.constant 32 : index
    %swap3A_931 = tpu.vector_load %arg11[%swap3A_929, %swap3A_930] {strides = array<i32>} : memref<16x128xf32, #tpu.memory_space<vmem>>, vector<16xf32>,
    tpu.vector_store %arg11[%swap3A_929, %swap3A_930], %broadcast_in_dim3A_12 {strides = array<i32>} : memref<16x128xf32, #tpu.memory_space<vmem>>, vector<16xf32>,
    %swap3A_932 = arith.constant 14 : i32
    %swap3A_933 = arith.index_cast %swap3A_932 : i32 to index
    %swap3A_934 = arith.constant 48 : index
    %swap3A_935 = tpu.vector_load %arg10[%swap3A_933, %swap3A_934] {strides = array<i32>} : memref<16x128xf32, #tpu.memory_space<vmem>>, vector<16xf32>,
    tpu.vector_store %arg10[%swap3A_933, %swap3A_934], %broadcast_in_dim3A_12 {strides = array<i32>} : memref<16x128xf32, #tpu.memory_space<vmem>>, vector<16xf32>,
    %swap3A_936 = arith.constant 14 : i32
    %swap3A_937 = arith.index_cast %swap3A_936 : i32 to index
    %swap3A_938 = arith.constant 48 : index
    %swap3A_939 = tpu.vector_load %arg11[%swap3A_937, %swap3A_938] {strides = array<i32>} : memref<16x128xf32, #tpu.memory_space<vmem>>, vector<16xf32>,
    tpu.vector_store %arg11[%swap3A_937, %swap3A_938], %broadcast_in_dim3A_12 {strides = array<i32>} : memref<16x128xf32, #tpu.memory_space<vmem>>, vector<16xf32>,
    %swap3A_940 = arith.constant 14 : i32
    %swap3A_941 = arith.index_cast %swap3A_940 : i32 to index
    %swap3A_942 = arith.constant 64 : index
    %swap3A_943 = tpu.vector_load %arg10[%swap3A_941, %swap3A_942] {strides = array<i32>} : memref<16x128xf32, #tpu.memory_space<vmem>>, vector<16xf32>,
    tpu.vector_store %arg10[%swap3A_941, %swap3A_942], %broadcast_in_dim3A_12 {strides = array<i32>} : memref<16x128xf32, #tpu.memory_space<vmem>>, vector<16xf32>,
    %swap3A_944 = arith.constant 14 : i32
    %swap3A_945 = arith.index_cast %swap3A_944 : i32 to index
    %swap3A_946 = arith.constant 64 : index
    %swap3A_947 = tpu.vector_load %arg11[%swap3A_945, %swap3A_946] {strides = array<i32>} : memref<16x128xf32, #tpu.memory_space<vmem>>, vector<16xf32>,
    tpu.vector_store %arg11[%swap3A_945, %swap3A_946], %broadcast_in_dim3A_12 {strides = array<i32>} : memref<16x128xf32, #tpu.memory_space<vmem>>, vector<16xf32>,
    %swap3A_948 = arith.constant 14 : i32
    %swap3A_949 = arith.index_cast %swap3A_948 : i32 to index
    %swap3A_950 = arith.constant 80 : index
    %swap3A_951 = tpu.vector_load %arg10[%swap3A_949, %swap3A_950] {strides = array<i32>} : memref<16x128xf32, #tpu.memory_space<vmem>>, vector<16xf32>,
    tpu.vector_store %arg10[%swap3A_949, %swap3A_950], %broadcast_in_dim3A_12 {strides = array<i32>} : memref<16x128xf32, #tpu.memory_space<vmem>>, vector<16xf32>,
    %swap3A_952 = arith.constant 14 : i32
    %swap3A_953 = arith.index_cast %swap3A_952 : i32 to index
    %swap3A_954 = arith.constant 80 : index
    %swap3A_955 = tpu.vector_load %arg11[%swap3A_953, %swap3A_954] {strides = array<i32>} : memref<16x128xf32, #tpu.memory_space<vmem>>, vector<16xf32>,
    tpu.vector_store %arg11[%swap3A_953, %swap3A_954], %broadcast_in_dim3A_12 {strides = array<i32>} : memref<16x128xf32, #tpu.memory_space<vmem>>, vector<16xf32>,
    %swap3A_956 = arith.constant 14 : i32
    %swap3A_957 = arith.index_cast %swap3A_956 : i32 to index
    %swap3A_958 = arith.constant 96 : index
    %swap3A_959 = tpu.vector_load %arg10[%swap3A_957, %swap3A_958] {strides = array<i32>} : memref<16x128xf32, #tpu.memory_space<vmem>>, vector<16xf32>,
    tpu.vector_store %arg10[%swap3A_957, %swap3A_958], %broadcast_in_dim3A_12 {strides = array<i32>} : memref<16x128xf32, #tpu.memory_space<vmem>>, vector<16xf32>,
    %swap3A_960 = arith.constant 14 : i32
    %swap3A_961 = arith.index_cast %swap3A_960 : i32 to index
    %swap3A_962 = arith.constant 96 : index
    %swap3A_963 = tpu.vector_load %arg11[%swap3A_961, %swap3A_962] {strides = array<i32>} : memref<16x128xf32, #tpu.memory_space<vmem>>, vector<16xf32>,
    tpu.vector_store %arg11[%swap3A_961, %swap3A_962], %broadcast_in_dim3A_12 {strides = array<i32>} : memref<16x128xf32, #tpu.memory_space<vmem>>, vector<16xf32>,
    %swap3A_964 = arith.constant 14 : i32
    %swap3A_965 = arith.index_cast %swap3A_964 : i32 to index
    %swap3A_966 = arith.constant 112 : index
    %swap3A_967 = tpu.vector_load %arg10[%swap3A_965, %swap3A_966] {strides = array<i32>} : memref<16x128xf32, #tpu.memory_space<vmem>>, vector<16xf32>,
    tpu.vector_store %arg10[%swap3A_965, %swap3A_966], %broadcast_in_dim3A_12 {strides = array<i32>} : memref<16x128xf32, #tpu.memory_space<vmem>>, vector<16xf32>,
    %swap3A_968 = arith.constant 14 : i32
    %swap3A_969 = arith.index_cast %swap3A_968 : i32 to index
    %swap3A_970 = arith.constant 112 : index
    %swap3A_971 = tpu.vector_load %arg11[%swap3A_969, %swap3A_970] {strides = array<i32>} : memref<16x128xf32, #tpu.memory_space<vmem>>, vector<16xf32>,
    tpu.vector_store %arg11[%swap3A_969, %swap3A_970], %broadcast_in_dim3A_12 {strides = array<i32>} : memref<16x128xf32, #tpu.memory_space<vmem>>, vector<16xf32>,
    %swap3A_972 = arith.constant 15 : i32
    %swap3A_973 = arith.index_cast %swap3A_972 : i32 to index
    %swap3A_974 = arith.constant 0 : index
    %swap3A_975 = tpu.vector_load %arg10[%swap3A_973, %swap3A_974] {strides = array<i32>} : memref<16x128xf32, #tpu.memory_space<vmem>>, vector<16xf32>,
    tpu.vector_store %arg10[%swap3A_973, %swap3A_974], %broadcast_in_dim3A_12 {strides = array<i32>} : memref<16x128xf32, #tpu.memory_space<vmem>>, vector<16xf32>,
    %swap3A_976 = arith.constant 15 : i32
    %swap3A_977 = arith.index_cast %swap3A_976 : i32 to index
    %swap3A_978 = arith.constant 0 : index
    %swap3A_979 = tpu.vector_load %arg11[%swap3A_977, %swap3A_978] {strides = array<i32>} : memref<16x128xf32, #tpu.memory_space<vmem>>, vector<16xf32>,
    tpu.vector_store %arg11[%swap3A_977, %swap3A_978], %broadcast_in_dim3A_12 {strides = array<i32>} : memref<16x128xf32, #tpu.memory_space<vmem>>, vector<16xf32>,
    %swap3A_980 = arith.constant 15 : i32
    %swap3A_981 = arith.index_cast %swap3A_980 : i32 to index
    %swap3A_982 = arith.constant 16 : index
    %swap3A_983 = tpu.vector_load %arg10[%swap3A_981, %swap3A_982] {strides = array<i32>} : memref<16x128xf32, #tpu.memory_space<vmem>>, vector<16xf32>,
    tpu.vector_store %arg10[%swap3A_981, %swap3A_982], %broadcast_in_dim3A_12 {strides = array<i32>} : memref<16x128xf32, #tpu.memory_space<vmem>>, vector<16xf32>,
    %swap3A_984 = arith.constant 15 : i32
    %swap3A_985 = arith.index_cast %swap3A_984 : i32 to index
    %swap3A_986 = arith.constant 16 : index
    %swap3A_987 = tpu.vector_load %arg11[%swap3A_985, %swap3A_986] {strides = array<i32>} : memref<16x128xf32, #tpu.memory_space<vmem>>, vector<16xf32>,
    tpu.vector_store %arg11[%swap3A_985, %swap3A_986], %broadcast_in_dim3A_12 {strides = array<i32>} : memref<16x128xf32, #tpu.memory_space<vmem>>, vector<16xf32>,
    %swap3A_988 = arith.constant 15 : i32
    %swap3A_989 = arith.index_cast %swap3A_988 : i32 to index
    %swap3A_990 = arith.constant 32 : index
    %swap3A_991 = tpu.vector_load %arg10[%swap3A_989, %swap3A_990] {strides = array<i32>} : memref<16x128xf32, #tpu.memory_space<vmem>>, vector<16xf32>,
    tpu.vector_store %arg10[%swap3A_989, %swap3A_990], %broadcast_in_dim3A_12 {strides = array<i32>} : memref<16x128xf32, #tpu.memory_space<vmem>>, vector<16xf32>,
    %swap3A_992 = arith.constant 15 : i32
    %swap3A_993 = arith.index_cast %swap3A_992 : i32 to index
    %swap3A_994 = arith.constant 32 : index
    %swap3A_995 = tpu.vector_load %arg11[%swap3A_993, %swap3A_994] {strides = array<i32>} : memref<16x128xf32, #tpu.memory_space<vmem>>, vector<16xf32>,
    tpu.vector_store %arg11[%swap3A_993, %swap3A_994], %broadcast_in_dim3A_12 {strides = array<i32>} : memref<16x128xf32, #tpu.memory_space<vmem>>, vector<16xf32>,
    %swap3A_996 = arith.constant 15 : i32
    %swap3A_997 = arith.index_cast %swap3A_996 : i32 to index
    %swap3A_998 = arith.constant 48 : index
    %swap3A_999 = tpu.vector_load %arg10[%swap3A_997, %swap3A_998] {strides = array<i32>} : memref<16x128xf32, #tpu.memory_space<vmem>>, vector<16xf32>,
    tpu.vector_store %arg10[%swap3A_997, %swap3A_998], %broadcast_in_dim3A_12 {strides = array<i32>} : memref<16x128xf32, #tpu.memory_space<vmem>>, vector<16xf32>,
    %swap3A_1000 = arith.constant 15 : i32
    %swap3A_1001 = arith.index_cast %swap3A_1000 : i32 to index
    %swap3A_1002 = arith.constant 48 : index
    %swap3A_1003 = tpu.vector_load %arg11[%swap3A_1001, %swap3A_1002] {strides = array<i32>} : memref<16x128xf32, #tpu.memory_space<vmem>>, vector<16xf32>,
    tpu.vector_store %arg11[%swap3A_1001, %swap3A_1002], %broadcast_in_dim3A_12 {strides = array<i32>} : memref<16x128xf32, #tpu.memory_space<vmem>>, vector<16xf32>,
    %swap3A_1004 = arith.constant 15 : i32
    %swap3A_1005 = arith.index_cast %swap3A_1004 : i32 to index
    %swap3A_1006 = arith.constant 64 : index
    %swap3A_1007 = tpu.vector_load %arg10[%swap3A_1005, %swap3A_1006] {strides = array<i32>} : memref<16x128xf32, #tpu.memory_space<vmem>>, vector<16xf32>,
    tpu.vector_store %arg10[%swap3A_1005, %swap3A_1006], %broadcast_in_dim3A_12 {strides = array<i32>} : memref<16x128xf32, #tpu.memory_space<vmem>>, vector<16xf32>,
    %swap3A_1008 = arith.constant 15 : i32
    %swap3A_1009 = arith.index_cast %swap3A_1008 : i32 to index
    %swap3A_1010 = arith.constant 64 : index
    %swap3A_1011 = tpu.vector_load %arg11[%swap3A_1009, %swap3A_1010] {strides = array<i32>} : memref<16x128xf32, #tpu.memory_space<vmem>>, vector<16xf32>,
    tpu.vector_store %arg11[%swap3A_1009, %swap3A_1010], %broadcast_in_dim3A_12 {strides = array<i32>} : memref<16x128xf32, #tpu.memory_space<vmem>>, vector<16xf32>,
    %swap3A_1012 = arith.constant 15 : i32
    %swap3A_1013 = arith.index_cast %swap3A_1012 : i32 to index
    %swap3A_1014 = arith.constant 80 : index
    %swap3A_1015 = tpu.vector_load %arg10[%swap3A_1013, %swap3A_1014] {strides = array<i32>} : memref<16x128xf32, #tpu.memory_space<vmem>>, vector<16xf32>,
    tpu.vector_store %arg10[%swap3A_1013, %swap3A_1014], %broadcast_in_dim3A_12 {strides = array<i32>} : memref<16x128xf32, #tpu.memory_space<vmem>>, vector<16xf32>,
    %swap3A_1016 = arith.constant 15 : i32
    %swap3A_1017 = arith.index_cast %swap3A_1016 : i32 to index
    %swap3A_1018 = arith.constant 80 : index
    %swap3A_1019 = tpu.vector_load %arg11[%swap3A_1017, %swap3A_1018] {strides = array<i32>} : memref<16x128xf32, #tpu.memory_space<vmem>>, vector<16xf32>,
    tpu.vector_store %arg11[%swap3A_1017, %swap3A_1018], %broadcast_in_dim3A_12 {strides = array<i32>} : memref<16x128xf32, #tpu.memory_space<vmem>>, vector<16xf32>,
    %swap3A_1020 = arith.constant 15 : i32
    %swap3A_1021 = arith.index_cast %swap3A_1020 : i32 to index
    %swap3A_1022 = arith.constant 96 : index
    %swap3A_1023 = tpu.vector_load %arg10[%swap3A_1021, %swap3A_1022] {strides = array<i32>} : memref<16x128xf32, #tpu.memory_space<vmem>>, vector<16xf32>,
    tpu.vector_store %arg10[%swap3A_1021, %swap3A_1022], %broadcast_in_dim3A_12 {strides = array<i32>} : memref<16x128xf32, #tpu.memory_space<vmem>>, vector<16xf32>,
    %swap3A_1024 = arith.constant 15 : i32
    %swap3A_1025 = arith.index_cast %swap3A_1024 : i32 to index
    %swap3A_1026 = arith.constant 96 : index
    %swap3A_1027 = tpu.vector_load %arg11[%swap3A_1025, %swap3A_1026] {strides = array<i32>} : memref<16x128xf32, #tpu.memory_space<vmem>>, vector<16xf32>,
    tpu.vector_store %arg11[%swap3A_1025, %swap3A_1026], %broadcast_in_dim3A_12 {strides = array<i32>} : memref<16x128xf32, #tpu.memory_space<vmem>>, vector<16xf32>,
    %swap3A_1028 = arith.constant 15 : i32
    %swap3A_1029 = arith.index_cast %swap3A_1028 : i32 to index
    %swap3A_1030 = arith.constant 112 : index
    %swap3A_1031 = tpu.vector_load %arg10[%swap3A_1029, %swap3A_1030] {strides = array<i32>} : memref<16x128xf32, #tpu.memory_space<vmem>>, vector<16xf32>,
    tpu.vector_store %arg10[%swap3A_1029, %swap3A_1030], %broadcast_in_dim3A_12 {strides = array<i32>} : memref<16x128xf32, #tpu.memory_space<vmem>>, vector<16xf32>,
    %swap3A_1032 = arith.constant 15 : i32
    %swap3A_1033 = arith.index_cast %swap3A_1032 : i32 to index
    %swap3A_1034 = arith.constant 112 : index
    %swap3A_1035 = tpu.vector_load %arg11[%swap3A_1033, %swap3A_1034] {strides = array<i32>} : memref<16x128xf32, #tpu.memory_space<vmem>>, vector<16xf32>,
    tpu.vector_store %arg11[%swap3A_1033, %swap3A_1034], %broadcast_in_dim3A_12 {strides = array<i32>} : memref<16x128xf32, #tpu.memory_space<vmem>>, vector<16xf32>,
    %dma_wait3A = tpu.memref_slice %arg2[%mul3A_2] : memref<131072xf32, #tpu.memory_space<hbm>> -> memref<4096xf32, #tpu.memory_space<hbm>>
    %dma_wait3A_1036 = tpu.memref_slice %arg2[%mul3A_2] : memref<131072xf32, #tpu.memory_space<hbm>> -> memref<4096xf32, #tpu.memory_space<hbm>>
    tpu.wait_dma2 semaphore(%arg12 : memref<!tpu.dma_semaphore, #tpu.memory_space<semaphore_mem>>) src(%dma_wait3A_1036 : memref<4096xf32, #tpu.memory_space<hbm>>) dst(%arg7 : memref<4096xf32, #tpu.memory_space<vmem>>)
    %dma_wait3A_1037 = tpu.memref_slice %arg3[%mul3A_2] : memref<131072xf32, #tpu.memory_space<hbm>> -> memref<4096xf32, #tpu.memory_space<hbm>>
    %dma_wait3A_1038 = tpu.memref_slice %arg3[%mul3A_2] : memref<131072xf32, #tpu.memory_space<hbm>> -> memref<4096xf32, #tpu.memory_space<hbm>>
    tpu.wait_dma2 semaphore(%arg12 : memref<!tpu.dma_semaphore, #tpu.memory_space<semaphore_mem>>) src(%dma_wait3A_1038 : memref<4096xf32, #tpu.memory_space<hbm>>) dst(%arg8 : memref<4096xf32, #tpu.memory_space<vmem>>)
    %dma_wait3A_1039 = arith.constant 0 : i32
    %dma_wait3A_1040 = tpu.memref_slice %arg9[%dma_wait3A_1039] : memref<4112xi32, #tpu.memory_space<vmem>> -> memref<4096xi32, #tpu.memory_space<vmem>>
    %dma_wait3A_1041 = tpu.memref_slice %arg4[%mul3A_2] : memref<131072xi32, #tpu.memory_space<hbm>> -> memref<4096xi32, #tpu.memory_space<hbm>>
    %dma_wait3A_1042 = arith.constant 0 : i32
    %dma_wait3A_1043 = tpu.memref_slice %arg9[%dma_wait3A_1042] : memref<4112xi32, #tpu.memory_space<vmem>> -> memref<4096xi32, #tpu.memory_space<vmem>>
    %dma_wait3A_1044 = tpu.memref_slice %arg4[%mul3A_2] : memref<131072xi32, #tpu.memory_space<hbm>> -> memref<4096xi32, #tpu.memory_space<hbm>>
    tpu.wait_dma2 semaphore(%arg12 : memref<!tpu.dma_semaphore, #tpu.memory_space<semaphore_mem>>) src(%dma_wait3A_1044 : memref<4096xi32, #tpu.memory_space<hbm>>) dst(%dma_wait3A_1043 : memref<4096xi32, #tpu.memory_space<vmem>>)
    %broadcast_in_dim3A_1045 = arith.constant 4095 : i32
    %broadcast_in_dim3A_1046 = vector.broadcast %broadcast_in_dim3A_1045 : i32 to vector<16xi32>
    %gather3A = tpu.vector_load_idx %arg9[%broadcast_in_dim3A_1046] : memref<4112xi32, #tpu.memory_space<vmem>>[vector<16xi32>], vector<16xi32>,
    %swap3A_1047 = arith.constant 4096 : index
    %swap3A_1048 = tpu.vector_load %arg9[%swap3A_1047] {strides = array<i32>} : memref<4112xi32, #tpu.memory_space<vmem>>, vector<16xi32>,
    tpu.vector_store %arg9[%swap3A_1047], %gather3A {strides = array<i32>} : memref<4112xi32, #tpu.memory_space<vmem>>, vector<16xi32>,
    %eq3A = arith.constant 15 : i32
    %eq3A_1049 = vector.broadcast %eq3A : i32 to vector<16xi32>
    %eq3A_1050 = arith.cmpi eq, %iota3A, %eq3A_1049 : vector<16xi32>
    %parallel_loop3A = arith.constant 0 : i32
    %parallel_loop3A_1051 = arith.constant 256 : i32
    %parallel_loop3A_1052 = arith.constant 1 : i32
    scf.for %parallel_loop3A_1085 = %parallel_loop3A to %parallel_loop3A_1051 step %parallel_loop3A_1052  : i32 {
      %parallel_loop3A_1086 = arith.constant 16 : i32
      %parallel_loop3A_1087 = arith.muli %parallel_loop3A_1085, %parallel_loop3A_1086 : i32
      %parallel_loop3A_1088 = arith.index_cast %parallel_loop3A_1087 : i32 to index
      %parallel_loop3A_1089 = tpu.vector_load %arg9[%parallel_loop3A_1088] {strides = array<i32>} : memref<4112xi32, #tpu.memory_space<vmem>>, vector<16xi32>,
      %parallel_loop3A_1090 = arith.constant 1 : i32
      %parallel_loop3A_1091 = arith.addi %parallel_loop3A_1087, %parallel_loop3A_1090 : i32
      %parallel_loop3A_1092 = vector.broadcast %parallel_loop3A_1091 : i32 to vector<16xi32>
      %parallel_loop3A_1093 = arith.addi %iota3A, %parallel_loop3A_1092 : vector<16xi32>
      %parallel_loop3A_1094 = tpu.vector_load_idx %arg9[%parallel_loop3A_1093] : memref<4112xi32, #tpu.memory_space<vmem>>[vector<16xi32>], vector<16xi32>,
      %parallel_loop3A_1095 = arith.index_cast %parallel_loop3A_1087 : i32 to index
      %parallel_loop3A_1096 = tpu.vector_load %arg7[%parallel_loop3A_1095] {strides = array<i32>} : memref<4096xf32, #tpu.memory_space<vmem>>, vector<16xf32>,
      %parallel_loop3A_1097 = arith.constant true
      %parallel_loop3A_1098 = vector.broadcast %parallel_loop3A_1097 : i1 to vector<16xi1>
      %parallel_loop3A_1099 = tpu.scan <sum>, %parallel_loop3A_1096 masked %parallel_loop3A_1098 : vector<16xf32>, vector<16xi1> -> vector<16xf32>
      %parallel_loop3A_1100 = arith.index_cast %parallel_loop3A_1087 : i32 to index
      %parallel_loop3A_1101 = tpu.vector_load %arg8[%parallel_loop3A_1100] {strides = array<i32>} : memref<4096xf32, #tpu.memory_space<vmem>>, vector<16xf32>,
      %parallel_loop3A_1102 = arith.constant true
      %parallel_loop3A_1103 = vector.broadcast %parallel_loop3A_1102 : i1 to vector<16xi1>
      %parallel_loop3A_1104 = tpu.scan <sum>, %parallel_loop3A_1101 masked %parallel_loop3A_1103 : vector<16xf32>, vector<16xi1> -> vector<16xf32>
      %parallel_loop3A_1105 = arith.cmpi ne, %parallel_loop3A_1089, %parallel_loop3A_1094 : vector<16xi32>
      %parallel_loop3A_1106 = arith.ori %parallel_loop3A_1105, %eq3A_1050 : vector<16xi1>
      %parallel_loop3A_1107 = arith.constant dense<true> : vector<16xi1>
      %parallel_loop3A_1108 = arith.xori %eq3A_1050, %parallel_loop3A_1107 : vector<16xi1>
      %parallel_loop3A_1109 = arith.andi %parallel_loop3A_1105, %parallel_loop3A_1108 : vector<16xi1>
      %parallel_loop3A_1110 = arith.constant 7 : i32
      %parallel_loop3A_1111 = vector.broadcast %parallel_loop3A_1110 : i32 to vector<16xi32>
      %parallel_loop3A_1112 = arith.shrsi %parallel_loop3A_1089, %parallel_loop3A_1111 : vector<16xi32>
      %parallel_loop3A_1113 = arith.constant 127 : i32
      %parallel_loop3A_1114 = vector.broadcast %parallel_loop3A_1113 : i32 to vector<16xi32>
      %parallel_loop3A_1115 = arith.andi %parallel_loop3A_1089, %parallel_loop3A_1114 : vector<16xi32>
      %parallel_loop3A_1116 = arith.constant 7 : i32
      %parallel_loop3A_1117 = vector.broadcast %parallel_loop3A_1116 : i32 to vector<16xi32>
      %parallel_loop3A_1118 = arith.shrsi %parallel_loop3A_1094, %parallel_loop3A_1117 : vector<16xi32>
      %parallel_loop3A_1119 = arith.constant 127 : i32
      %parallel_loop3A_1120 = vector.broadcast %parallel_loop3A_1119 : i32 to vector<16xi32>
      %parallel_loop3A_1121 = arith.andi %parallel_loop3A_1094, %parallel_loop3A_1120 : vector<16xi32>
      tpu.vector_store_idx %arg10[%parallel_loop3A_1112, %parallel_loop3A_1115], %parallel_loop3A_1099 masked %parallel_loop3A_1106 {add = true} : memref<16x128xf32, #tpu.memory_space<vmem>>[vector<16xi32>, vector<16xi32>], vector<16xf32>, vector<16xi1>
      %parallel_loop3A_1122 = arith.constant 0.000000e+00 : f32
      %parallel_loop3A_1123 = vector.broadcast %parallel_loop3A_1122 : f32 to vector<16xf32>
      %parallel_loop3A_1124 = arith.subf %parallel_loop3A_1123, %parallel_loop3A_1099 : vector<16xf32>
      tpu.vector_store_idx %arg10[%parallel_loop3A_1118, %parallel_loop3A_1121], %parallel_loop3A_1124 masked %parallel_loop3A_1109 {add = true} : memref<16x128xf32, #tpu.memory_space<vmem>>[vector<16xi32>, vector<16xi32>], vector<16xf32>, vector<16xi1>
      tpu.vector_store_idx %arg11[%parallel_loop3A_1112, %parallel_loop3A_1115], %parallel_loop3A_1104 masked %parallel_loop3A_1106 {add = true} : memref<16x128xf32, #tpu.memory_space<vmem>>[vector<16xi32>, vector<16xi32>], vector<16xf32>, vector<16xi1>
      %parallel_loop3A_1125 = arith.constant 0.000000e+00 : f32
      %parallel_loop3A_1126 = vector.broadcast %parallel_loop3A_1125 : f32 to vector<16xf32>
      %parallel_loop3A_1127 = arith.subf %parallel_loop3A_1126, %parallel_loop3A_1104 : vector<16xf32>
      tpu.vector_store_idx %arg11[%parallel_loop3A_1118, %parallel_loop3A_1121], %parallel_loop3A_1127 masked %parallel_loop3A_1109 {add = true} : memref<16x128xf32, #tpu.memory_space<vmem>>[vector<16xi32>, vector<16xi32>], vector<16xf32>, vector<16xi1>
    } {sc.loop_unroll_factor = 8 : i64, sc.parallel_access}
    %dma_start3A_1053 = arith.constant 0 : i32
    %dma_start3A_1054 = arith.constant 0 : i32
    %dma_start3A_1055 = tpu.memref_slice %arg5[%add3A, %dma_start3A_1053, %dma_start3A_1054] : memref<32x16x128xf32, #tpu.memory_space<hbm>> -> memref<1x16x128xf32, #tpu.memory_space<hbm>>
    %dma_start3A_1056 = tpu.memref_squeeze %dma_start3A_1055 : memref<1x16x128xf32, #tpu.memory_space<hbm>> -> memref<16x128xf32, #tpu.memory_space<hbm>>
    %dma_start3A_1057 = arith.constant 0 : i32
    %dma_start3A_1058 = arith.constant 0 : i32
    %dma_start3A_1059 = tpu.memref_slice %arg5[%add3A, %dma_start3A_1057, %dma_start3A_1058] : memref<32x16x128xf32, #tpu.memory_space<hbm>> -> memref<1x16x128xf32, #tpu.memory_space<hbm>>
    %dma_start3A_1060 = tpu.memref_squeeze %dma_start3A_1059 : memref<1x16x128xf32, #tpu.memory_space<hbm>> -> memref<16x128xf32, #tpu.memory_space<hbm>>
    tpu.enqueue_dma source(%arg10 : memref<16x128xf32, #tpu.memory_space<vmem>>) target(%dma_start3A_1060 : memref<16x128xf32, #tpu.memory_space<hbm>>) target_semaphore(%arg12 : memref<!tpu.dma_semaphore, #tpu.memory_space<semaphore_mem>>)
    %dma_start3A_1061 = arith.constant 0 : i32
    %dma_start3A_1062 = arith.constant 0 : i32
    %dma_start3A_1063 = tpu.memref_slice %arg6[%add3A, %dma_start3A_1061, %dma_start3A_1062] : memref<32x16x128xf32, #tpu.memory_space<hbm>> -> memref<1x16x128xf32, #tpu.memory_space<hbm>>
    %dma_start3A_1064 = tpu.memref_squeeze %dma_start3A_1063 : memref<1x16x128xf32, #tpu.memory_space<hbm>> -> memref<16x128xf32, #tpu.memory_space<hbm>>
    %dma_start3A_1065 = arith.constant 0 : i32
    %dma_start3A_1066 = arith.constant 0 : i32
    %dma_start3A_1067 = tpu.memref_slice %arg6[%add3A, %dma_start3A_1065, %dma_start3A_1066] : memref<32x16x128xf32, #tpu.memory_space<hbm>> -> memref<1x16x128xf32, #tpu.memory_space<hbm>>
    %dma_start3A_1068 = tpu.memref_squeeze %dma_start3A_1067 : memref<1x16x128xf32, #tpu.memory_space<hbm>> -> memref<16x128xf32, #tpu.memory_space<hbm>>
    tpu.enqueue_dma source(%arg11 : memref<16x128xf32, #tpu.memory_space<vmem>>) target(%dma_start3A_1068 : memref<16x128xf32, #tpu.memory_space<hbm>>) target_semaphore(%arg12 : memref<!tpu.dma_semaphore, #tpu.memory_space<semaphore_mem>>)
    %dma_wait3A_1069 = arith.constant 0 : i32
    %dma_wait3A_1070 = arith.constant 0 : i32
    %dma_wait3A_1071 = tpu.memref_slice %arg5[%add3A, %dma_wait3A_1069, %dma_wait3A_1070] : memref<32x16x128xf32, #tpu.memory_space<hbm>> -> memref<1x16x128xf32, #tpu.memory_space<hbm>>
    %dma_wait3A_1072 = tpu.memref_squeeze %dma_wait3A_1071 : memref<1x16x128xf32, #tpu.memory_space<hbm>> -> memref<16x128xf32, #tpu.memory_space<hbm>>
    %dma_wait3A_1073 = arith.constant 0 : i32
    %dma_wait3A_1074 = arith.constant 0 : i32
    %dma_wait3A_1075 = tpu.memref_slice %arg5[%add3A, %dma_wait3A_1073, %dma_wait3A_1074] : memref<32x16x128xf32, #tpu.memory_space<hbm>> -> memref<1x16x128xf32, #tpu.memory_space<hbm>>
    %dma_wait3A_1076 = tpu.memref_squeeze %dma_wait3A_1075 : memref<1x16x128xf32, #tpu.memory_space<hbm>> -> memref<16x128xf32, #tpu.memory_space<hbm>>
    tpu.wait_dma2 semaphore(%arg12 : memref<!tpu.dma_semaphore, #tpu.memory_space<semaphore_mem>>) src(%arg10 : memref<16x128xf32, #tpu.memory_space<vmem>>) dst(%dma_wait3A_1076 : memref<16x128xf32, #tpu.memory_space<hbm>>)
    %dma_wait3A_1077 = arith.constant 0 : i32
    %dma_wait3A_1078 = arith.constant 0 : i32
    %dma_wait3A_1079 = tpu.memref_slice %arg6[%add3A, %dma_wait3A_1077, %dma_wait3A_1078] : memref<32x16x128xf32, #tpu.memory_space<hbm>> -> memref<1x16x128xf32, #tpu.memory_space<hbm>>
    %dma_wait3A_1080 = tpu.memref_squeeze %dma_wait3A_1079 : memref<1x16x128xf32, #tpu.memory_space<hbm>> -> memref<16x128xf32, #tpu.memory_space<hbm>>
    %dma_wait3A_1081 = arith.constant 0 : i32
    %dma_wait3A_1082 = arith.constant 0 : i32
    %dma_wait3A_1083 = tpu.memref_slice %arg6[%add3A, %dma_wait3A_1081, %dma_wait3A_1082] : memref<32x16x128xf32, #tpu.memory_space<hbm>> -> memref<1x16x128xf32, #tpu.memory_space<hbm>>
    %dma_wait3A_1084 = tpu.memref_squeeze %dma_wait3A_1083 : memref<1x16x128xf32, #tpu.memory_space<hbm>> -> memref<16x128xf32, #tpu.memory_space<hbm>>
    tpu.wait_dma2 semaphore(%arg12 : memref<!tpu.dma_semaphore, #tpu.memory_space<semaphore_mem>>) src(%arg11 : memref<16x128xf32, #tpu.memory_space<vmem>>) dst(%dma_wait3A_1084 : memref<16x128xf32, #tpu.memory_space<hbm>>)
    return
  }
}

module attributes {stable_mosaic.version = 14 : i64} {
  func.func @_tc_prep(%arg0: i32, %arg1: memref<3x65536xf32, #tpu.memory_space<vmem>>, %arg2: memref<8x65536xf32, #tpu.memory_space<vmem>>, %arg3: memref<1x128xf32, #tpu.memory_space<vmem>>, %arg4: memref<1x128xf32, #tpu.memory_space<vmem>>, %arg5: memref<65536xf32, #tpu.memory_space<vmem>>, %arg6: memref<65536xf32, #tpu.memory_space<vmem>>) attributes {dimension_semantics = [#tpu.dimension_semantics<arbitrary>], iteration_bounds = array<i64: 2>, scalar_prefetch = 0 : i64, scratch_operands = 0 : i64, tpu.core_type = #tpu.core_type<tc>, window_params = [{transform_indices = @transform_0, window_bounds = array<i64: 3, 65536>}, {transform_indices = @transform_1, window_bounds = array<i64: 8, 65536>}, {pipeline_mode = #tpu.pipeline_mode<synchronous>, transform_indices = @transform_2, window_bounds = array<i64: 1, 128>}, {pipeline_mode = #tpu.pipeline_mode<synchronous>, transform_indices = @transform_3, window_bounds = array<i64: 1, 128>}, {transform_indices = @transform_4, window_bounds = array<i64: 65536>}, {transform_indices = @transform_5, window_bounds = array<i64: 65536>}]} {
    %get3A = arith.constant 0 : index
    %get3A_0 = arith.constant 0 : index
    %get3A_1 = vector.load %arg3[%get3A, %get3A_0] : memref<1x128xf32, #tpu.memory_space<vmem>>, vector<1x3xf32>
    %get3A_2 = arith.constant 0 : index
    %get3A_3 = arith.constant 0 : index
    %get3A_4 = vector.load %arg4[%get3A_2, %get3A_3] : memref<1x128xf32, #tpu.memory_space<vmem>>, vector<1x8xf32>
    %div3A = arith.constant 1.000000e+00 : f32
    %div3A_5 = vector.broadcast %div3A : f32 to vector<1x8xf32>
    %div3A_6 = arith.divf %div3A_5, %get3A_4 : vector<1x8xf32>
    %get3A_7 = arith.constant 0 : index
    %get3A_8 = arith.constant 0 : index
    %get3A_9 = vector.load %arg1[%get3A_7, %get3A_8] : memref<3x65536xf32, #tpu.memory_space<vmem>>, vector<3x65536xf32>
    %dot_general3A = arith.constant dense<0.000000e+00> : vector<1x65536xf32>
    %dot_general3A_10 = tpu.matmul %get3A_1, %get3A_9, %dot_general3A {dimension_numbers = #tpu.dot_dimension_numbers<[1], [0], [0], [1], [0, 0, 1, 1], [], []>, transpose_lhs_hint = false} : vector<1x3xf32>, vector<3x65536xf32>, vector<1x65536xf32> -> vector<1x65536xf32>
    %reshape3A = vector.shape_cast %dot_general3A_10 : vector<1x65536xf32> to vector<65536xf32>
    %swap3A = arith.constant 0 : index
    %swap3A_11 = vector.load %arg5[%swap3A] : memref<65536xf32, #tpu.memory_space<vmem>>, vector<65536xf32>
    tpu.vector_store %arg5[%swap3A], %reshape3A {strides = array<i32>} : memref<65536xf32, #tpu.memory_space<vmem>>, vector<65536xf32>,
    %get3A_12 = arith.constant 0 : index
    %get3A_13 = arith.constant 0 : index
    %get3A_14 = vector.load %arg2[%get3A_12, %get3A_13] : memref<8x65536xf32, #tpu.memory_space<vmem>>, vector<8x65536xf32>
    %dot_general3A_15 = arith.constant dense<0.000000e+00> : vector<1x65536xf32>
    %dot_general3A_16 = tpu.matmul %div3A_6, %get3A_14, %dot_general3A_15 {dimension_numbers = #tpu.dot_dimension_numbers<[1], [0], [0], [1], [0, 0, 1, 1], [], []>, transpose_lhs_hint = false} : vector<1x8xf32>, vector<8x65536xf32>, vector<1x65536xf32> -> vector<1x65536xf32>
    %reshape3A_17 = vector.shape_cast %dot_general3A_16 : vector<1x65536xf32> to vector<65536xf32>
    %swap3A_18 = arith.constant 0 : index
    %swap3A_19 = vector.load %arg6[%swap3A_18] : memref<65536xf32, #tpu.memory_space<vmem>>, vector<65536xf32>
    tpu.vector_store %arg6[%swap3A_18], %reshape3A_17 {strides = array<i32>} : memref<65536xf32, #tpu.memory_space<vmem>>, vector<65536xf32>,
    return
  }
  func.func @transform_0(%arg0: i32) -> (i32, i32) {
    %c0_i32 = arith.constant 0 : i32
    %c0_i32_0 = arith.constant 0 : i32
    return %c0_i32, %arg0 : i32, i32
  }
  func.func @transform_1(%arg0: i32) -> (i32, i32) {
    %c0_i32 = arith.constant 0 : i32
    %c0_i32_0 = arith.constant 0 : i32
    return %c0_i32, %arg0 : i32, i32
  }
  func.func @transform_2(%arg0: i32) -> (i32, i32) {
    %c0_i32 = arith.constant 0 : i32
    %c0_i32_0 = arith.constant 0 : i32
    %c0_i32_1 = arith.constant 0 : i32
    return %c0_i32, %c0_i32_0 : i32, i32
  }
  func.func @transform_3(%arg0: i32) -> (i32, i32) {
    %c0_i32 = arith.constant 0 : i32
    %c0_i32_0 = arith.constant 0 : i32
    %c0_i32_1 = arith.constant 0 : i32
    return %c0_i32, %c0_i32_0 : i32, i32
  }
  func.func @transform_4(%arg0: i32) -> i32 {
    %c0_i32 = arith.constant 0 : i32
    return %arg0 : i32
  }
  func.func @transform_5(%arg0: i32) -> i32 {
    %c0_i32 = arith.constant 0 : i32
    return %arg0 : i32
  }
}

module attributes {stable_mosaic.version = 14 : i64} {
  func.func @_tc_final(%arg0: memref<32x16x128xf32, #tpu.memory_space<vmem>>, %arg1: memref<32x16x128xf32, #tpu.memory_space<vmem>>, %arg2: memref<16x128xf32, #tpu.memory_space<vmem>>, %arg3: memref<16x128xi32, #tpu.memory_space<vmem>>, %arg4: memref<1x128xf32, #tpu.memory_space<vmem>>, %arg5: memref<1x1xf32, #tpu.memory_space<smem>>, %arg6: memref<1x1xf32, #tpu.memory_space<smem>>, %arg7: memref<1x1xf32, #tpu.memory_space<smem>>, %arg8: memref<1x1xf32, #tpu.memory_space<smem>>) attributes {dimension_semantics = [], scalar_prefetch = 0 : i64, scratch_operands = 0 : i64, tpu.core_type = #tpu.core_type<tc>} {
    %get3A = arith.constant 0 : index
    %get3A_0 = arith.constant 0 : index
    %get3A_1 = arith.constant 0 : index
    %get3A_2 = vector.load %arg0[%get3A, %get3A_0, %get3A_1] : memref<32x16x128xf32, #tpu.memory_space<vmem>>, vector<32x16x128xf32>
    %reduce_sum3A = arith.constant dense<0.000000e+00> : vector<16x128xf32>
    %reduce_sum3A_3 = vector.multi_reduction <add>, %get3A_2, %reduce_sum3A [0] : vector<32x16x128xf32> to vector<16x128xf32>
    %get3A_4 = arith.constant 0 : index
    %get3A_5 = arith.constant 0 : index
    %get3A_6 = arith.constant 0 : index
    %get3A_7 = vector.load %arg1[%get3A_4, %get3A_5, %get3A_6] : memref<32x16x128xf32, #tpu.memory_space<vmem>>, vector<32x16x128xf32>
    %reduce_sum3A_8 = arith.constant dense<0.000000e+00> : vector<16x128xf32>
    %reduce_sum3A_9 = vector.multi_reduction <add>, %get3A_7, %reduce_sum3A_8 [0] : vector<32x16x128xf32> to vector<16x128xf32>
    %get3A_10 = arith.constant 0 : index
    %get3A_11 = arith.constant 0 : index
    %get3A_12 = vector.load %arg4[%get3A_10, %get3A_11] : memref<1x128xf32, #tpu.memory_space<vmem>>, vector<1x128xf32>
    %integer_pow3A = arith.mulf %get3A_12, %get3A_12 : vector<1x128xf32>
    %reduce_sum3A_13 = vector.shape_cast %integer_pow3A : vector<1x128xf32> to vector<1x1x128xf32>
    %reduce_sum3A_14 = arith.constant dense<0.000000e+00> : vector<1xf32>
    %reduce_sum3A_15 = vector.multi_reduction <add>, %reduce_sum3A_13, %reduce_sum3A_14 [1, 2] : vector<1x1x128xf32> to vector<1xf32>
    %reduce_sum3A_16 = vector.shape_cast %reduce_sum3A_15 : vector<1xf32> to vector<1x1x1xf32>
    %reduce_sum3A_17 = vector.extract %reduce_sum3A_16[0, 0, 0] : f32 from vector<1x1x1xf32>
    %neg3A = arith.constant 0.000000e+00 : f32
    %neg3A_18 = vector.broadcast %neg3A : f32 to vector<16x128xf32>
    %neg3A_19 = arith.subf %neg3A_18, %reduce_sum3A_3 : vector<16x128xf32>
    %exp3A = math.exp %neg3A_19 : vector<16x128xf32>
    %add3A = arith.constant 1.000000e+00 : f32
    %add3A_20 = vector.broadcast %add3A : f32 to vector<16x128xf32>
    %add3A_21 = arith.addf %add3A_20, %exp3A : vector<16x128xf32>
    %div3A = arith.constant 1.000000e+00 : f32
    %div3A_22 = vector.broadcast %div3A : f32 to vector<16x128xf32>
    %div3A_23 = arith.divf %div3A_22, %add3A_21 : vector<16x128xf32>
    %sub3A = arith.constant 1.000000e+00 : f32
    %sub3A_24 = vector.broadcast %sub3A : f32 to vector<16x128xf32>
    %sub3A_25 = arith.subf %sub3A_24, %div3A_23 : vector<16x128xf32>
    %mul3A = arith.mulf %div3A_23, %sub3A_25 : vector<16x128xf32>
    %mul3A_26 = arith.mulf %mul3A, %mul3A : vector<16x128xf32>
    %mul3A_27 = vector.broadcast %reduce_sum3A_17 : f32 to vector<16x128xf32>
    %mul3A_28 = arith.mulf %mul3A_26, %mul3A_27 : vector<16x128xf32>
    %mul3A_29 = arith.mulf %mul3A_28, %reduce_sum3A_9 : vector<16x128xf32>
    %get3A_30 = arith.constant 0 : index
    %get3A_31 = arith.constant 0 : index
    %get3A_32 = vector.load %arg2[%get3A_30, %get3A_31] : memref<16x128xf32, #tpu.memory_space<vmem>>, vector<16x128xf32>
    %mul3A_33 = arith.mulf %mul3A_29, %get3A_32 : vector<16x128xf32>
    %get3A_34 = arith.constant 0 : index
    %get3A_35 = arith.constant 0 : index
    %get3A_36 = vector.load %arg3[%get3A_34, %get3A_35] : memref<16x128xi32, #tpu.memory_space<vmem>>, vector<16x128xi32>
    %gt3A = arith.constant 1 : i32
    %gt3A_37 = vector.broadcast %gt3A : i32 to vector<16x128xi32>
    %gt3A_38 = arith.cmpi sgt, %get3A_36, %gt3A_37 : vector<16x128xi32>
    %eq3A = arith.constant 0 : i32
    %eq3A_39 = vector.broadcast %eq3A : i32 to vector<16x128xi32>
    %eq3A_40 = arith.cmpi eq, %get3A_36, %eq3A_39 : vector<16x128xi32>
    %eq3A_41 = arith.constant 1 : i32
    %eq3A_42 = vector.broadcast %eq3A_41 : i32 to vector<16x128xi32>
    %eq3A_43 = arith.cmpi eq, %get3A_36, %eq3A_42 : vector<16x128xi32>
    %convert_element_type3A = arith.extui %gt3A_38 : vector<16x128xi1> to vector<16x128xi32>
    %convert_element_type3A_44 = arith.sitofp %convert_element_type3A : vector<16x128xi32> to vector<16x128xf32>
    %reduce_sum3A_45 = vector.shape_cast %convert_element_type3A_44 : vector<16x128xf32> to vector<1x16x128xf32>
    %reduce_sum3A_46 = arith.constant dense<0.000000e+00> : vector<1xf32>
    %reduce_sum3A_47 = vector.multi_reduction <add>, %reduce_sum3A_45, %reduce_sum3A_46 [1, 2] : vector<1x16x128xf32> to vector<1xf32>
    %reduce_sum3A_48 = vector.shape_cast %reduce_sum3A_47 : vector<1xf32> to vector<1x1x1xf32>
    %reduce_sum3A_49 = vector.extract %reduce_sum3A_48[0, 0, 0] : f32 from vector<1x1x1xf32>
    %max3A = arith.constant 1.000000e+00 : f32
    %max3A_50 = arith.maximumf %reduce_sum3A_49, %max3A : f32
    %convert_element_type3A_51 = arith.extui %eq3A_40 : vector<16x128xi1> to vector<16x128xi32>
    %convert_element_type3A_52 = arith.sitofp %convert_element_type3A_51 : vector<16x128xi32> to vector<16x128xf32>
    %reduce_sum3A_53 = vector.shape_cast %convert_element_type3A_52 : vector<16x128xf32> to vector<1x16x128xf32>
    %reduce_sum3A_54 = arith.constant dense<0.000000e+00> : vector<1xf32>
    %reduce_sum3A_55 = vector.multi_reduction <add>, %reduce_sum3A_53, %reduce_sum3A_54 [1, 2] : vector<1x16x128xf32> to vector<1xf32>
    %reduce_sum3A_56 = vector.shape_cast %reduce_sum3A_55 : vector<1xf32> to vector<1x1x1xf32>
    %reduce_sum3A_57 = vector.extract %reduce_sum3A_56[0, 0, 0] : f32 from vector<1x1x1xf32>
    %max3A_58 = arith.constant 1.000000e+00 : f32
    %max3A_59 = arith.maximumf %reduce_sum3A_57, %max3A_58 : f32
    %convert_element_type3A_60 = arith.extui %eq3A_43 : vector<16x128xi1> to vector<16x128xi32>
    %convert_element_type3A_61 = arith.sitofp %convert_element_type3A_60 : vector<16x128xi32> to vector<16x128xf32>
    %reduce_sum3A_62 = vector.shape_cast %convert_element_type3A_61 : vector<16x128xf32> to vector<1x16x128xf32>
    %reduce_sum3A_63 = arith.constant dense<0.000000e+00> : vector<1xf32>
    %reduce_sum3A_64 = vector.multi_reduction <add>, %reduce_sum3A_62, %reduce_sum3A_63 [1, 2] : vector<1x16x128xf32> to vector<1xf32>
    %reduce_sum3A_65 = vector.shape_cast %reduce_sum3A_64 : vector<1xf32> to vector<1x1x1xf32>
    %reduce_sum3A_66 = vector.extract %reduce_sum3A_65[0, 0, 0] : f32 from vector<1x1x1xf32>
    %max3A_67 = arith.constant 1.000000e+00 : f32
    %max3A_68 = arith.maximumf %reduce_sum3A_66, %max3A_67 : f32
    %jit3A = arith.constant 0.000000e+00 : f32
    %broadcast_in_dim3A = vector.broadcast %jit3A : f32 to vector<16x128xf32>
    %select_n3A = arith.select %gt3A_38, %mul3A_33, %broadcast_in_dim3A : vector<16x128xi1>, vector<16x128xf32>
    %reduce_sum3A_69 = vector.shape_cast %select_n3A : vector<16x128xf32> to vector<1x16x128xf32>
    %reduce_sum3A_70 = arith.constant dense<0.000000e+00> : vector<1xf32>
    %reduce_sum3A_71 = vector.multi_reduction <add>, %reduce_sum3A_69, %reduce_sum3A_70 [1, 2] : vector<1x16x128xf32> to vector<1xf32>
    %reduce_sum3A_72 = vector.shape_cast %reduce_sum3A_71 : vector<1xf32> to vector<1x1x1xf32>
    %reduce_sum3A_73 = vector.extract %reduce_sum3A_72[0, 0, 0] : f32 from vector<1x1x1xf32>
    %div3A_74 = arith.divf %reduce_sum3A_73, %max3A_50 : f32
    %mul3A_75 = arith.mulf %div3A_23, %div3A_23 : vector<16x128xf32>
    %jit3A_76 = arith.constant 0.000000e+00 : f32
    %broadcast_in_dim3A_77 = vector.broadcast %jit3A_76 : f32 to vector<16x128xf32>
    %select_n3A_78 = arith.select %eq3A_40, %mul3A_75, %broadcast_in_dim3A_77 : vector<16x128xi1>, vector<16x128xf32>
    %reduce_sum3A_79 = vector.shape_cast %select_n3A_78 : vector<16x128xf32> to vector<1x16x128xf32>
    %reduce_sum3A_80 = arith.constant dense<0.000000e+00> : vector<1xf32>
    %reduce_sum3A_81 = vector.multi_reduction <add>, %reduce_sum3A_79, %reduce_sum3A_80 [1, 2] : vector<1x16x128xf32> to vector<1xf32>
    %reduce_sum3A_82 = vector.shape_cast %reduce_sum3A_81 : vector<1xf32> to vector<1x1x1xf32>
    %reduce_sum3A_83 = vector.extract %reduce_sum3A_82[0, 0, 0] : f32 from vector<1x1x1xf32>
    %div3A_84 = arith.divf %reduce_sum3A_83, %max3A_59 : f32
    %sub3A_85 = arith.constant 1.000000e+00 : f32
    %sub3A_86 = vector.broadcast %sub3A_85 : f32 to vector<16x128xf32>
    %sub3A_87 = arith.subf %div3A_23, %sub3A_86 : vector<16x128xf32>
    %integer_pow3A_88 = arith.mulf %sub3A_87, %sub3A_87 : vector<16x128xf32>
    %jit3A_89 = arith.constant 0.000000e+00 : f32
    %broadcast_in_dim3A_90 = vector.broadcast %jit3A_89 : f32 to vector<16x128xf32>
    %select_n3A_91 = arith.select %eq3A_43, %integer_pow3A_88, %broadcast_in_dim3A_90 : vector<16x128xi1>, vector<16x128xf32>
    %reduce_sum3A_92 = vector.shape_cast %select_n3A_91 : vector<16x128xf32> to vector<1x16x128xf32>
    %reduce_sum3A_93 = arith.constant dense<0.000000e+00> : vector<1xf32>
    %reduce_sum3A_94 = vector.multi_reduction <add>, %reduce_sum3A_92, %reduce_sum3A_93 [1, 2] : vector<1x16x128xf32> to vector<1xf32>
    %reduce_sum3A_95 = vector.shape_cast %reduce_sum3A_94 : vector<1xf32> to vector<1x1x1xf32>
    %reduce_sum3A_96 = vector.extract %reduce_sum3A_95[0, 0, 0] : f32 from vector<1x1x1xf32>
    %div3A_97 = arith.divf %reduce_sum3A_96, %max3A_68 : f32
    %log3A = math.log %div3A_74 : f32
    %add3A_98 = arith.addf %div3A_84, %div3A_97 : f32
    %mul3A_99 = arith.constant 1.000000e+04 : f32
    %mul3A_100 = arith.mulf %mul3A_99, %add3A_98 : f32
    %add3A_101 = arith.addf %log3A, %mul3A_100 : f32
    %swap3A = arith.constant 0 : index
    %swap3A_102 = arith.constant 0 : index
    %swap3A_103 = memref.load %arg5[%swap3A, %swap3A_102] : memref<1x1xf32, #tpu.memory_space<smem>>
    memref.store %add3A_101, %arg5[%swap3A, %swap3A_102] : memref<1x1xf32, #tpu.memory_space<smem>>
    %swap3A_104 = arith.constant 0 : index
    %swap3A_105 = arith.constant 0 : index
    %swap3A_106 = memref.load %arg6[%swap3A_104, %swap3A_105] : memref<1x1xf32, #tpu.memory_space<smem>>
    memref.store %log3A, %arg6[%swap3A_104, %swap3A_105] : memref<1x1xf32, #tpu.memory_space<smem>>
    %mul3A_107 = arith.constant 1.000000e+04 : f32
    %mul3A_108 = arith.mulf %mul3A_107, %div3A_84 : f32
    %swap3A_109 = arith.constant 0 : index
    %swap3A_110 = arith.constant 0 : index
    %swap3A_111 = memref.load %arg7[%swap3A_109, %swap3A_110] : memref<1x1xf32, #tpu.memory_space<smem>>
    memref.store %mul3A_108, %arg7[%swap3A_109, %swap3A_110] : memref<1x1xf32, #tpu.memory_space<smem>>
    %mul3A_112 = arith.constant 1.000000e+04 : f32
    %mul3A_113 = arith.mulf %mul3A_112, %div3A_97 : f32
    %swap3A_114 = arith.constant 0 : index
    %swap3A_115 = arith.constant 0 : index
    %swap3A_116 = memref.load %arg8[%swap3A_114, %swap3A_115] : memref<1x1xf32, #tpu.memory_space<smem>>
    memref.store %mul3A_113, %arg8[%swap3A_114, %swap3A_115] : memref<1x1xf32, #tpu.memory_space<smem>>
    return
  }
}

</mosaic_0001>

<sc_bundles>
// kernel: kernel.5.cloned.1.call-start
scs
__scs_entry_jumppad:
0x0: {  	(pc) =	sbr.rel $0x88, $3  }
0x1: {  	(tag) =	ssettag $0x0;
	lr =	simm.s32 $0x1  }
0x2: {  	[smem:$0x3F9A] =	sst lr;
	_ =	strace $0xD0000000  }
0x3: {  	_ = 	snop  }
0x4: {  	_ = 	snop  }
0x5: {  	_ = 	snop  }
0x6: {  	_ = 	snop  }
0x7: {  	_ = 	snop  }
__scs_overlays_trampoline_lowered:
0x8: {  	[smem:$0x3FA9] =	sst s0  }
0x9: {  	[smem:$0x3FAA] =	sst s1  }
0xa: {  	[smem:$0x3FAB] =	sst s2  }
0xb: {  	[smem:$0x3FAC] =	sst s3  }
0xc: {  	[smem:$0x3FAD] =	sst s4  }
0xd: {  	[smem:$0x3FAE] =	sst s5  }
0xe: {  	[smem:$0x3FAF] =	sst s6  }
0xf: {  	[smem:$0x3FB0] =	sst s7  }
0x10: {  	[smem:$0x3FB1] =	sst s8  }
0x11: {  	[smem:$0x3FB2] =	sst s9;
	s0 =	simm.s32 @!p0 $0x0  }
0x12: {  	s1 =	sld [smem:$0x3F98];
	s0 =	simm.s32 @p0 $0x1  }
0x13: {  	[smem:$0x3FB3] =	sst s0;
	s0 =	simm.s32 @!p1 $0x0  }
0x14: {  	s2 =	sld [smem:$0x3F97];
	s0 =	simm.s32 @p1 $0x1  }
0x15: {  	[smem:$0x3FB4] =	sst s0;
	s0 =	simm.s32 @!p2 $0x0  }
0x16: {  	s3 =	sld [smem:$0x3FDB];
	s0 =	simm.s32 @p2 $0x1  }
0x17: {  	s4 =	simm.s32 $0x1BF5;
	[smem:$0x3FB6] =	sst s0  }
0x18: {  	s0 =	sld [smem:$0x3F99];
	_ =	swait.ge [sflag:s4], $0x0  }
0x19: {  	s7 =	sld [smem:$0x3F9A]  }
0x1a: {  	s8 =	sadd.s32 $0xFFFFE003, lr  }
0x1b: {  	s9 =	sadd.s32 $0xFFFFFEF7, lr;
	s5 =	simm.s32 $0xFFFFFFFF;
	p2 =	slt.u32 s8, $0xFFFFF086  }
0x1c: {  	p1 =	slt.u32 s9, $0xF7A;
	s5 =	simm.s32 @!p2 $0x0  }
0x1d: {  	s5 =	simm.s32 @p1 $0x1;
	p0 =	seq.s32 s7, s2  }
0x1e: {  	s7 =	smul.u32 @!p0 $0xF7A, s2;
	p2 =	seq.s32 @!p0 s5, $0x0  }
0x1f: {  	s9 =	smul.u32 $0xF7A, s1;
	s8 =	simm.s32 @!p0 $0x1BF5;
	p2 =	por !p2, p0  }
0x20: {  	[sflag:s8] =	ssyncset.s32 @!p0 $0xFFFFF086;
	s6 =	sadd.s32 @!p0 s3, s7;
	s7 =	simm.s32 @!p0 $0x108  }
0x21: {  	s3 =	sadd.s32 s3, s9;
	s6 =	sadd.s32 @!p0 $0x88, s6;
	s7 =	simm.s32 @p2 $0x1082  }
0x22: {  	[simem:s7], [sflag:s8] =	dma.local @!p0 [hbm:s6], $0xF7A  }
0x23: {  	s9 =	sor.u32 $0xD0000000, s2;
	s6 =	simm.s32 $0x108;
	_ =	swait.ge @!p0 [sflag:s8], $0x0  }
0x24: {  	s3 =	sadd.s32 $0x88, s3;
	s6 =	simm.s32 @!p1 $0x1082;
	[sflag:s4] =	ssyncset.s32 $0xFFFFF086  }
0x25: {  	[simem:s6], [sflag:s4] =	dma.local [hbm:s3], $0xF7A  }
0x26: {  	[smem:$0x3F9A] =	sst s1;
	(tag) =	ssettag s2;
	_ =	strace s9  }
0x27: {  	s1 =	sld [smem:$0x3FAA]  }
0x28: {  	s2 =	sld [smem:$0x3FAB]  }
0x29: {  	s4 =	sld [smem:$0x3FAD]  }
0x2a: {  	p0 =	seq.s32 s5, $0x0;
	s5 =	sld [smem:$0x3FAE]  }
0x2b: {  	s6 =	sld [smem:$0x3FAF]  }
0x2c: {  	s7 =	sld [smem:$0x3FB0]  }
0x2d: {  	s3 =	simm.s32 $0x108;
	s8 =	sld [smem:$0x3FB1]  }
0x2e: {  	s3 =	simm.s32 @!p0 $0x1082;
	s9 =	sld [smem:$0x3FB2]  }
0x2f: {  	lr =	sadd.s32 s0, s3;
	s0 =	sld [smem:$0x3FA9]  }
0x30: {  	s3 =	sld [smem:$0x3FAC]  }
0x31: {  	[smem:$0x3FB5] =	sst s10  }
0x32: {  	s10 =	sld [smem:$0x3FB3];
	_ =	sdelay $0x3  }
0x33: {  	p0 =	seq.s32 s10, $0x1;
	s10 =	sld [smem:$0x3FB5];
	_ =	sdelay $0x3  }
0x34: {  	[smem:$0x3FB5] =	sst s10  }
0x35: {  	s10 =	sld [smem:$0x3FB4];
	_ =	sdelay $0x3  }
0x36: {  	p1 =	seq.s32 s10, $0x1;
	s10 =	sld [smem:$0x3FB5];
	_ =	sdelay $0x3  }
0x37: {  	[smem:$0x3FB5] =	sst s10  }
0x38: {  	s10 =	sld [smem:$0x3FB6]  }
0x39: {  	_ = 	snop;
	(pc) =	sbr.ind lr, $3  }
0x3a: {  	_ = 	snop  }
0x3b: {  	_ = 	snop  }
0x3c: {  	p2 =	seq.s32 s10, $0x1;
	s10 =	sld [smem:$0x3FB5]  }
0x3d: {  	_ =	shalt  }
0x3e: {  	_ =	shalt  }
0x3f: {  	_ =	shalt  }
0x40: {  	_ =	shalt  }
0x41: {  	_ =	shalt  }
0x42: {  	_ =	shalt  }
0x43: {  	_ =	shalt  }
0x44: {  	_ =	shalt  }
0x45: {  	_ =	shalt  }
0x46: {  	_ =	shalt  }
0x47: {  	_ =	shalt  }
0x48: {  	_ =	shalt  }
0x49: {  	_ =	shalt  }
0x4a: {  	_ =	shalt  }
0x4b: {  	_ =	shalt  }
0x4c: {  	_ =	shalt  }
0x4d: {  	_ =	shalt  }
0x4e: {  	_ =	shalt  }
0x4f: {  	_ =	shalt  }
0x50: {  	_ =	shalt  }
0x51: {  	_ =	shalt  }
0x52: {  	_ =	shalt  }
0x53: {  	_ =	shalt  }
0x54: {  	_ =	shalt  }
0x55: {  	_ =	shalt  }
0x56: {  	_ =	shalt  }
0x57: {  	_ =	shalt  }
0x58: {  	_ =	shalt  }
0x59: {  	_ =	shalt  }
0x5a: {  	_ =	shalt  }
0x5b: {  	_ =	shalt  }
0x5c: {  	_ =	shalt  }
0x5d: {  	_ =	shalt  }
0x5e: {  	_ =	shalt  }
0x5f: {  	_ =	shalt  }
0x60: {  	_ =	shalt  }
0x61: {  	_ =	shalt  }
0x62: {  	_ =	shalt  }
0x63: {  	_ =	shalt  }
0x64: {  	_ =	shalt  }
0x65: {  	_ =	shalt  }
0x66: {  	_ =	shalt  }
0x67: {  	_ =	shalt  }
0x68: {  	_ =	shalt  }
0x69: {  	_ =	shalt  }
0x6a: {  	_ =	shalt  }
0x6b: {  	_ =	shalt  }
0x6c: {  	_ =	shalt  }
0x6d: {  	_ =	shalt  }
0x6e: {  	_ =	shalt  }
0x6f: {  	_ =	shalt  }
0x70: {  	_ =	shalt  }
0x71: {  	_ =	shalt  }
0x72: {  	_ =	shalt  }
0x73: {  	_ =	shalt  }
0x74: {  	_ =	shalt  }
0x75: {  	_ =	shalt  }
0x76: {  	_ =	shalt  }
0x77: {  	_ =	shalt  }
0x78: {  	_ =	shalt  }
0x79: {  	_ =	shalt  }
0x7a: {  	_ =	shalt  }
0x7b: {  	_ =	shalt  }
0x7c: {  	_ =	shalt  }
0x7d: {  	_ =	shalt  }
0x7e: {  	_ =	shalt  }
0x7f: {  	_ =	shalt  }
0x80: {  	_ =	shalt  }
0x81: {  	_ =	shalt  }
0x82: {  	_ =	shalt  }
0x83: {  	_ =	shalt  }
0x84: {  	_ =	shalt  }
0x85: {  	_ =	shalt  }
0x86: {  	_ =	shalt  }
0x87: {  	_ =	shalt  }
.Lfunc_end0:
.L_simem_size_0:
called_computation_lowered:
.L_overlay_start_0:
0x88: {  	s2 =	sld [smem:$0x3FD9]  }
0x89: {  	s3 =	sld [smem:$0x3FFE];
	_ =	sdelay $0x1  }
0x8a: {  	s1 =	srdreg.scid  }
0x8b: {  	s0 =	sand.u32 $0x1, s1  }
0x8c: {  	s17 =	sshll.u32 s0, $0xA;
	s2 =	sadd.s32 s3, s2  }
0x8d: {  	s2 =	sadd.s32 s2, s17  }
0x8e: {  	[smem:$0x3FC1] =	sst s2  }
0x8f: {  	_ = 	snop  }
0x90: {  	s2 =	sld [smem:$0x3FC5];
	(tm) =	ssettm $0x1  }
0x91: {  	s18 =	sld [smem:$0x3FFB];
	_ =	sdelay $0x3  }
0x92: {  	_ =	strace s18  }
0x93: {  	s3 =	sld [smem:$0x3FFC];
	_ =	sdelay $0x3  }
0x94: {  	_ =	strace s3  }
0x95: {  	s3 =	sld [smem:$0x3FFD];
	_ =	sdelay $0x3  }
0x96: {  	_ =	strace s3  }
0x97: {  	_ =	strace $0x8FFFFFFF  }
0x98: {  	s19 =	sld [smem:$0x3FDB];
	_ =	sdelay $0x1  }
0x99: {  	s4 =	simm.s32 $_scs_section_size  }
0x9a: {  	s5 =	simm.s32 $_size__tile_overlayer_lowered;
	s6 =	simm.s32 $_tile_overlayer_lowered  }
0x9b: {  	s22 =	simm.s32 $0x1BFF;
	s21 =	sshll.u32 s6, $0x1;
	s3 =	sadd.s32 s4, s19  }
0x9c: {  	s7 =	simm.s32 $0x0;
	s20 =	sshll.u32 s5, $0x1;
	s5 =	sadd.s32 s21, s3  }
0x9d: {  	[timem:s7], [sflag:s22] =	dma.local [hbm:s5], s20  }
0x9e: {  	_ =	swait.ge [sflag:s22], s20  }
0x9f: {  	s4 =	ssub.s32 $0x0, s20;
	[sflag:s22] =	ssyncset.done $0x0  }
0xa0: {  	[sflag:s22] =	ssyncadd.s32 s4;
	_ =	sdelay $0x1  }
0xa1: {  	s23 =	simm.s32 $0x1B8B  }
0xa2: {  	_ =	swait.ge [sflag:s23], $0x1  }
0xa3: {  	[sflag:s23] =	ssyncset.done $0x0  }
0xa4: {  	s25 =	simm.s32 $0x1B8E;
	s24 =	sld [smem:$0x3FFE];
	[sflag:s23] =	ssyncadd.s32 $0xFFFFFFFF  }
0xa5: {  	s26 =	simm.s32 $execute0_lowered;
	[smem:$0x3FD2] =	sst s25  }
0xa6: {  	s5 =	sshll.u32 s26, $0x1;
	_ =	strace $0x80000046;
	[dreg:$0x1] =	wrdreg $0xFFFFFFFF  }
0xa7: {  	s28 =	simm.s32 $_size_execute0_lowered;
	s3 =	sadd.s32 s3, s5;
	[dreg:$0x0] =	wrdreg $0x0  }
0xa8: {  	s5 =	sshll.u32 s28, $0x1;
	[dreg:$0x2] =	wrdreg s3  }
0xa9: {  	[dreg:$0x3] =	wrdreg s5  }
0xaa: {  	[dreg:$0x4] =	wrdreg $0xC0  }
0xab: {  	_ =	task [dreg:s7], $0x5FFFF  }
0xac: {  	[dreg:$0x1] =	wrdreg $0xFFFFFFFF  }
0xad: {  	[dreg:$0x0] =	wrdreg $0x60  }
0xae: {  	[dreg:$0x2] =	wrdreg s24  }
0xaf: {  	[dreg:$0x3] =	wrdreg s2  }
0xb0: {  	[dreg:$0x4] =	wrdreg $0x9  }
0xb1: {  	_ =	task.clear_ibuf [dreg:s7], $0x5FFFF;
	_ =	strace $0x90000046  }
0xb2: {  	s29 =	simm.s32 $0x9;
	_ =	strace $0x80000048  }
0xb3: {  	_ =	swait.ge [sflag:s29], $0x1  }
0xb4: {  	[sflag:s29] =	ssyncadd.s32 $0xFFFFFFFF  }
0xb5: {  	_ =	strace $0x90000048  }
0xb6: {  	_ =	sfence  }
0xb7: {  	s30 =	sld [smem:$0x0];
	_ =	sdelay $0x2  }
0xb8: {  	s31 =	sshll.u32 s1, $0xD;
	s1 =	sshrl.u32 s1, $0x2  }
0xb9: {  	s3 =	sand.u32 $0x4000, s31;
	s1 =	sadd.s32 s1, s30  }
0xba: {  	s0 =	sor.u32 s3, s0;
	s1 =	sshll.u32 s1, $0x11  }
0xbb: {  	s0 =	sor.u32 s1, s0  }
0xbc: {  	s0 =	sadd.s32 $0x8F2B, s0  }
0xbd: {  	[sflag:s0] =	ssyncadd.remote.s32 $0x1  }
0xbe: {  	_ =	sfence.sel $0xFFFF  }
0xbf: {  	[dreg:$0x0] =	wrdreg $0xFFFFFFFF;
	(pc) =	sbr.abs _section_cstart, $3  }
0xc0: {  	[dreg:$0x1] =	wrdreg $0xFFFFFFFF  }
0xc1: {  	_ =	task.clear_ibuf [dreg:s7], $0x2FFFF;
	_ =	strace $0x9FFFFFFF  }
0xc2: {  	(tm) =	ssettm $0x7FFFFFFF  }
0xc3: {  	_ =	shalt  }
tec
execute0_lowered:
.L_overlay_start_1:
0x0: {  	(tag) =	ssettag $0x1  }
0x1: {  	s3 =	rddreg [dreg:$0x0]  }
0x2: {  	s5 =	rddreg [dreg:$0x1]  }
0x3: {  	s0 =	rddreg [dreg:$0x2]  }
0x4: {  	s2 =	simm.s32 $0x0;
	s4 =	srdreg.scid;
	s1 =	stileid.u32  }
0x5: {  	s11 =	simm.s32 $0x1;
	s12 =	simm.s32 $0x3080;
	s13 =	simm.s32 $0x3880  }
0x6: {  	[smem:$0x7FF] =	sst s2;
	s4 =	sand.u32 $0x1, s4;
	s6 =	sshll.u32 s1, $0x1  }
0x7: {  	s14 =	simm.s32 $0x0;
	_ =	strace $0x80000047;
	s6 =	sor.u32 s4, s6  }
0x8: {  	s4 =	ssub.s32 $0x2, s4;
	s7 =	sshll.u32 s6, $0x9;
	s6 =	sshll.u32 s6, $0x8  }
0x9: {  	s8 =	sshrl.u32 s4, $0x1;
	s9 =	sadd.s32 s7, s3;
	s10 =	sadd.s32 s6, s3  }
0xa: {  	s8 =	ssub.s32 s4, s8;
	s5 =	sadd.s32 s5, s7;
	s3 =	sadd.s32 $0x1E00, s9  }
0xb: {  	v0 =	vimm.f32 $0.0e+00;
	v1 =	vimm.s32 $0xFFF;
	s4 =	sadd.s32 $0x5E00, s9;
	s6 =	sadd.s32 $0x9E00, s10;
	s7 =	sadd.s32 $0xBE00, s10  }
0xc: {  	v2 =	vlaneseq.u32;
	vm0 =	vcmask $0x3F3C;
	vm1 =	vmmov $0x7fff;
	s8 =	smax.u32 s8, $0x1;
	s9 =	simm.s32 $0x1000;
	s10 =	simm.s32 $0x2000  }
.LBB2_1:
0xd: {  	[tilespmem:s2], [sflag:$0x1] =	stream.linear.gather [hbm4b:s3+s2], $0x1000, $0x38;
	[tilespmem:$0x4080] =	vst v63  }
0xe: {  	_ = 	snop  }
0xf: {  	[tilespmem:s9], [sflag:$0x1] =	stream.linear.gather [hbm4b:s4+s2], $0x1000, $0x38;
	[tilespmem:$0x4080] =	vst v63  }
0x10: {  	_ = 	snop  }
0x11: {  	[tilespmem:s10], [sflag:$0x1] =	stream.linear.gather [hbm4b:s5+s2], $0x1000, $0x38;
	[tilespmem:$0x4080] =	vst v63  }
0x12: {  	[tilespmem:$0x3080] =	vst v0  }
0x13: {  	[tilespmem:$0x3880] =	vst v0  }
0x14: {  	[tilespmem:$0x3090] =	vst v0  }
0x15: {  	[tilespmem:$0x3890] =	vst v0  }
0x16: {  	[tilespmem:$0x30A0] =	vst v0  }
0x17: {  	[tilespmem:$0x38A0] =	vst v0  }
0x18: {  	[tilespmem:$0x30B0] =	vst v0  }
0x19: {  	[tilespmem:$0x38B0] =	vst v0  }
0x1a: {  	[tilespmem:$0x30C0] =	vst v0  }
0x1b: {  	[tilespmem:$0x38C0] =	vst v0  }
0x1c: {  	[tilespmem:$0x30D0] =	vst v0  }
0x1d: {  	[tilespmem:$0x38D0] =	vst v0  }
0x1e: {  	[tilespmem:$0x30E0] =	vst v0  }
0x1f: {  	[tilespmem:$0x38E0] =	vst v0  }
0x20: {  	[tilespmem:$0x30F0] =	vst v0  }
0x21: {  	[tilespmem:$0x38F0] =	vst v0  }
0x22: {  	[tilespmem:$0x3100] =	vst v0  }
0x23: {  	[tilespmem:$0x3900] =	vst v0  }
0x24: {  	[tilespmem:$0x3110] =	vst v0  }
0x25: {  	[tilespmem:$0x3910] =	vst v0  }
0x26: {  	[tilespmem:$0x3120] =	vst v0  }
0x27: {  	[tilespmem:$0x3920] =	vst v0  }
0x28: {  	[tilespmem:$0x3130] =	vst v0  }
0x29: {  	[tilespmem:$0x3930] =	vst v0  }
0x2a: {  	[tilespmem:$0x3140] =	vst v0  }
0x2b: {  	[tilespmem:$0x3940] =	vst v0  }
0x2c: {  	[tilespmem:$0x3150] =	vst v0  }
0x2d: {  	[tilespmem:$0x3950] =	vst v0  }
0x2e: {  	[tilespmem:$0x3160] =	vst v0  }
0x2f: {  	[tilespmem:$0x3960] =	vst v0  }
0x30: {  	[tilespmem:$0x3170] =	vst v0  }
0x31: {  	[tilespmem:$0x3970] =	vst v0  }
0x32: {  	[tilespmem:$0x3180] =	vst v0  }
0x33: {  	[tilespmem:$0x3980] =	vst v0  }
0x34: {  	[tilespmem:$0x3190] =	vst v0  }
0x35: {  	[tilespmem:$0x3990] =	vst v0  }
0x36: {  	[tilespmem:$0x31A0] =	vst v0  }
0x37: {  	[tilespmem:$0x39A0] =	vst v0  }
0x38: {  	[tilespmem:$0x31B0] =	vst v0  }
0x39: {  	[tilespmem:$0x39B0] =	vst v0  }
0x3a: {  	[tilespmem:$0x31C0] =	vst v0  }
0x3b: {  	[tilespmem:$0x39C0] =	vst v0  }
0x3c: {  	[tilespmem:$0x31D0] =	vst v0  }
0x3d: {  	[tilespmem:$0x39D0] =	vst v0  }
0x3e: {  	[tilespmem:$0x31E0] =	vst v0  }
0x3f: {  	[tilespmem:$0x39E0] =	vst v0  }
0x40: {  	[tilespmem:$0x31F0] =	vst v0  }
0x41: {  	[tilespmem:$0x39F0] =	vst v0  }
0x42: {  	[tilespmem:$0x3200] =	vst v0  }
0x43: {  	[tilespmem:$0x3A00] =	vst v0  }
0x44: {  	[tilespmem:$0x3210] =	vst v0  }
0x45: {  	[tilespmem:$0x3A10] =	vst v0  }
0x46: {  	[tilespmem:$0x3220] =	vst v0  }
0x47: {  	[tilespmem:$0x3A20] =	vst v0  }
0x48: {  	[tilespmem:$0x3230] =	vst v0  }
0x49: {  	[tilespmem:$0x3A30] =	vst v0  }
0x4a: {  	[tilespmem:$0x3240] =	vst v0  }
0x4b: {  	[tilespmem:$0x3A40] =	vst v0  }
0x4c: {  	[tilespmem:$0x3250] =	vst v0  }
0x4d: {  	[tilespmem:$0x3A50] =	vst v0  }
0x4e: {  	[tilespmem:$0x3260] =	vst v0  }
0x4f: {  	[tilespmem:$0x3A60] =	vst v0  }
0x50: {  	[tilespmem:$0x3270] =	vst v0  }
0x51: {  	[tilespmem:$0x3A70] =	vst v0  }
0x52: {  	[tilespmem:$0x3280] =	vst v0  }
0x53: {  	[tilespmem:$0x3A80] =	vst v0  }
0x54: {  	[tilespmem:$0x3290] =	vst v0  }
0x55: {  	[tilespmem:$0x3A90] =	vst v0  }
0x56: {  	[tilespmem:$0x32A0] =	vst v0  }
0x57: {  	[tilespmem:$0x3AA0] =	vst v0  }
0x58: {  	[tilespmem:$0x32B0] =	vst v0  }
0x59: {  	[tilespmem:$0x3AB0] =	vst v0  }
0x5a: {  	[tilespmem:$0x32C0] =	vst v0  }
0x5b: {  	[tilespmem:$0x3AC0] =	vst v0  }
0x5c: {  	[tilespmem:$0x32D0] =	vst v0  }
0x5d: {  	[tilespmem:$0x3AD0] =	vst v0  }
0x5e: {  	[tilespmem:$0x32E0] =	vst v0  }
0x5f: {  	[tilespmem:$0x3AE0] =	vst v0  }
0x60: {  	[tilespmem:$0x32F0] =	vst v0  }
0x61: {  	[tilespmem:$0x3AF0] =	vst v0  }
0x62: {  	[tilespmem:$0x3300] =	vst v0  }
0x63: {  	[tilespmem:$0x3B00] =	vst v0  }
0x64: {  	[tilespmem:$0x3310] =	vst v0  }
0x65: {  	[tilespmem:$0x3B10] =	vst v0  }
0x66: {  	[tilespmem:$0x3320] =	vst v0  }
0x67: {  	[tilespmem:$0x3B20] =	vst v0  }
0x68: {  	[tilespmem:$0x3330] =	vst v0  }
0x69: {  	[tilespmem:$0x3B30] =	vst v0  }
0x6a: {  	[tilespmem:$0x3340] =	vst v0  }
0x6b: {  	[tilespmem:$0x3B40] =	vst v0  }
0x6c: {  	[tilespmem:$0x3350] =	vst v0  }
0x6d: {  	[tilespmem:$0x3B50] =	vst v0  }
0x6e: {  	[tilespmem:$0x3360] =	vst v0  }
0x6f: {  	[tilespmem:$0x3B60] =	vst v0  }
0x70: {  	[tilespmem:$0x3370] =	vst v0  }
0x71: {  	[tilespmem:$0x3B70] =	vst v0  }
0x72: {  	[tilespmem:$0x3380] =	vst v0  }
0x73: {  	[tilespmem:$0x3B80] =	vst v0  }
0x74: {  	[tilespmem:$0x3390] =	vst v0  }
0x75: {  	[tilespmem:$0x3B90] =	vst v0  }
0x76: {  	[tilespmem:$0x33A0] =	vst v0  }
0x77: {  	[tilespmem:$0x3BA0] =	vst v0  }
0x78: {  	[tilespmem:$0x33B0] =	vst v0  }
0x79: {  	[tilespmem:$0x3BB0] =	vst v0  }
0x7a: {  	[tilespmem:$0x33C0] =	vst v0  }
0x7b: {  	[tilespmem:$0x3BC0] =	vst v0  }
0x7c: {  	[tilespmem:$0x33D0] =	vst v0  }
0x7d: {  	[tilespmem:$0x3BD0] =	vst v0  }
0x7e: {  	[tilespmem:$0x33E0] =	vst v0  }
0x7f: {  	[tilespmem:$0x3BE0] =	vst v0  }
0x80: {  	[tilespmem:$0x33F0] =	vst v0  }
0x81: {  	[tilespmem:$0x3BF0] =	vst v0  }
0x82: {  	[tilespmem:$0x3400] =	vst v0  }
0x83: {  	[tilespmem:$0x3C00] =	vst v0  }
0x84: {  	[tilespmem:$0x3410] =	vst v0  }
0x85: {  	[tilespmem:$0x3C10] =	vst v0  }
0x86: {  	[tilespmem:$0x3420] =	vst v0  }
0x87: {  	[tilespmem:$0x3C20] =	vst v0  }
0x88: {  	[tilespmem:$0x3430] =	vst v0  }
0x89: {  	[tilespmem:$0x3C30] =	vst v0  }
0x8a: {  	[tilespmem:$0x3440] =	vst v0  }
0x8b: {  	[tilespmem:$0x3C40] =	vst v0  }
0x8c: {  	[tilespmem:$0x3450] =	vst v0  }
0x8d: {  	[tilespmem:$0x3C50] =	vst v0  }
0x8e: {  	[tilespmem:$0x3460] =	vst v0  }
0x8f: {  	[tilespmem:$0x3C60] =	vst v0  }
0x90: {  	[tilespmem:$0x3470] =	vst v0  }
0x91: {  	[tilespmem:$0x3C70] =	vst v0  }
0x92: {  	[tilespmem:$0x3480] =	vst v0  }
0x93: {  	[tilespmem:$0x3C80] =	vst v0  }
0x94: {  	[tilespmem:$0x3490] =	vst v0  }
0x95: {  	[tilespmem:$0x3C90] =	vst v0  }
0x96: {  	[tilespmem:$0x34A0] =	vst v0  }
0x97: {  	[tilespmem:$0x3CA0] =	vst v0  }
0x98: {  	[tilespmem:$0x34B0] =	vst v0  }
0x99: {  	[tilespmem:$0x3CB0] =	vst v0  }
0x9a: {  	[tilespmem:$0x34C0] =	vst v0  }
0x9b: {  	[tilespmem:$0x3CC0] =	vst v0  }
0x9c: {  	[tilespmem:$0x34D0] =	vst v0  }
0x9d: {  	[tilespmem:$0x3CD0] =	vst v0  }
0x9e: {  	[tilespmem:$0x34E0] =	vst v0  }
0x9f: {  	[tilespmem:$0x3CE0] =	vst v0  }
0xa0: {  	[tilespmem:$0x34F0] =	vst v0  }
0xa1: {  	[tilespmem:$0x3CF0] =	vst v0  }
0xa2: {  	[tilespmem:$0x3500] =	vst v0  }
0xa3: {  	[tilespmem:$0x3D00] =	vst v0  }
0xa4: {  	[tilespmem:$0x3510] =	vst v0  }
0xa5: {  	[tilespmem:$0x3D10] =	vst v0  }
0xa6: {  	[tilespmem:$0x3520] =	vst v0  }
0xa7: {  	[tilespmem:$0x3D20] =	vst v0  }
0xa8: {  	[tilespmem:$0x3530] =	vst v0  }
0xa9: {  	[tilespmem:$0x3D30] =	vst v0  }
0xaa: {  	[tilespmem:$0x3540] =	vst v0  }
0xab: {  	[tilespmem:$0x3D40] =	vst v0  }
0xac: {  	[tilespmem:$0x3550] =	vst v0  }
0xad: {  	[tilespmem:$0x3D50] =	vst v0  }
0xae: {  	[tilespmem:$0x3560] =	vst v0  }
0xaf: {  	[tilespmem:$0x3D60] =	vst v0  }
0xb0: {  	[tilespmem:$0x3570] =	vst v0  }
0xb1: {  	[tilespmem:$0x3D70] =	vst v0  }
0xb2: {  	[tilespmem:$0x3580] =	vst v0  }
0xb3: {  	[tilespmem:$0x3D80] =	vst v0  }
0xb4: {  	[tilespmem:$0x3590] =	vst v0  }
0xb5: {  	[tilespmem:$0x3D90] =	vst v0  }
0xb6: {  	[tilespmem:$0x35A0] =	vst v0  }
0xb7: {  	[tilespmem:$0x3DA0] =	vst v0  }
0xb8: {  	[tilespmem:$0x35B0] =	vst v0  }
0xb9: {  	[tilespmem:$0x3DB0] =	vst v0  }
0xba: {  	[tilespmem:$0x35C0] =	vst v0  }
0xbb: {  	[tilespmem:$0x3DC0] =	vst v0  }
0xbc: {  	[tilespmem:$0x35D0] =	vst v0  }
0xbd: {  	[tilespmem:$0x3DD0] =	vst v0  }
0xbe: {  	[tilespmem:$0x35E0] =	vst v0  }
0xbf: {  	[tilespmem:$0x3DE0] =	vst v0  }
0xc0: {  	[tilespmem:$0x35F0] =	vst v0  }
0xc1: {  	[tilespmem:$0x3DF0] =	vst v0  }
0xc2: {  	[tilespmem:$0x3600] =	vst v0  }
0xc3: {  	[tilespmem:$0x3E00] =	vst v0  }
0xc4: {  	[tilespmem:$0x3610] =	vst v0  }
0xc5: {  	[tilespmem:$0x3E10] =	vst v0  }
0xc6: {  	[tilespmem:$0x3620] =	vst v0  }
0xc7: {  	[tilespmem:$0x3E20] =	vst v0  }
0xc8: {  	[tilespmem:$0x3630] =	vst v0  }
0xc9: {  	[tilespmem:$0x3E30] =	vst v0  }
0xca: {  	[tilespmem:$0x3640] =	vst v0  }
0xcb: {  	[tilespmem:$0x3E40] =	vst v0  }
0xcc: {  	[tilespmem:$0x3650] =	vst v0  }
0xcd: {  	[tilespmem:$0x3E50] =	vst v0  }
0xce: {  	[tilespmem:$0x3660] =	vst v0  }
0xcf: {  	[tilespmem:$0x3E60] =	vst v0  }
0xd0: {  	[tilespmem:$0x3670] =	vst v0  }
0xd1: {  	[tilespmem:$0x3E70] =	vst v0  }
0xd2: {  	[tilespmem:$0x3680] =	vst v0  }
0xd3: {  	[tilespmem:$0x3E80] =	vst v0  }
0xd4: {  	[tilespmem:$0x3690] =	vst v0  }
0xd5: {  	[tilespmem:$0x3E90] =	vst v0  }
0xd6: {  	[tilespmem:$0x36A0] =	vst v0  }
0xd7: {  	[tilespmem:$0x3EA0] =	vst v0  }
0xd8: {  	[tilespmem:$0x36B0] =	vst v0  }
0xd9: {  	[tilespmem:$0x3EB0] =	vst v0  }
0xda: {  	[tilespmem:$0x36C0] =	vst v0  }
0xdb: {  	[tilespmem:$0x3EC0] =	vst v0  }
0xdc: {  	[tilespmem:$0x36D0] =	vst v0  }
0xdd: {  	[tilespmem:$0x3ED0] =	vst v0  }
0xde: {  	[tilespmem:$0x36E0] =	vst v0  }
0xdf: {  	[tilespmem:$0x3EE0] =	vst v0  }
0xe0: {  	[tilespmem:$0x36F0] =	vst v0  }
0xe1: {  	[tilespmem:$0x3EF0] =	vst v0  }
0xe2: {  	[tilespmem:$0x3700] =	vst v0  }
0xe3: {  	[tilespmem:$0x3F00] =	vst v0  }
0xe4: {  	[tilespmem:$0x3710] =	vst v0  }
0xe5: {  	[tilespmem:$0x3F10] =	vst v0  }
0xe6: {  	[tilespmem:$0x3720] =	vst v0  }
0xe7: {  	[tilespmem:$0x3F20] =	vst v0  }
0xe8: {  	[tilespmem:$0x3730] =	vst v0  }
0xe9: {  	[tilespmem:$0x3F30] =	vst v0  }
0xea: {  	[tilespmem:$0x3740] =	vst v0  }
0xeb: {  	[tilespmem:$0x3F40] =	vst v0  }
0xec: {  	[tilespmem:$0x3750] =	vst v0  }
0xed: {  	[tilespmem:$0x3F50] =	vst v0  }
0xee: {  	[tilespmem:$0x3760] =	vst v0  }
0xef: {  	[tilespmem:$0x3F60] =	vst v0  }
0xf0: {  	[tilespmem:$0x3770] =	vst v0  }
0xf1: {  	[tilespmem:$0x3F70] =	vst v0  }
0xf2: {  	[tilespmem:$0x3780] =	vst v0  }
0xf3: {  	[tilespmem:$0x3F80] =	vst v0  }
0xf4: {  	[tilespmem:$0x3790] =	vst v0  }
0xf5: {  	[tilespmem:$0x3F90] =	vst v0  }
0xf6: {  	[tilespmem:$0x37A0] =	vst v0  }
0xf7: {  	[tilespmem:$0x3FA0] =	vst v0  }
0xf8: {  	[tilespmem:$0x37B0] =	vst v0  }
0xf9: {  	[tilespmem:$0x3FB0] =	vst v0  }
0xfa: {  	[tilespmem:$0x37C0] =	vst v0  }
0xfb: {  	[tilespmem:$0x3FC0] =	vst v0  }
0xfc: {  	[tilespmem:$0x37D0] =	vst v0  }
0xfd: {  	[tilespmem:$0x3FD0] =	vst v0  }
0xfe: {  	[tilespmem:$0x37E0] =	vst v0  }
0xff: {  	[tilespmem:$0x3FE0] =	vst v0  }
0x100: {  	[tilespmem:$0x37F0] =	vst v0  }
0x101: {  	[tilespmem:$0x3FF0] =	vst v0  }
0x102: {  	[tilespmem:$0x3800] =	vst v0  }
0x103: {  	[tilespmem:$0x4000] =	vst v0  }
0x104: {  	[tilespmem:$0x3810] =	vst v0  }
0x105: {  	[tilespmem:$0x4010] =	vst v0  }
0x106: {  	[tilespmem:$0x3820] =	vst v0  }
0x107: {  	[tilespmem:$0x4020] =	vst v0  }
0x108: {  	[tilespmem:$0x3830] =	vst v0  }
0x109: {  	[tilespmem:$0x4030] =	vst v0  }
0x10a: {  	[tilespmem:$0x3840] =	vst v0  }
0x10b: {  	[tilespmem:$0x4040] =	vst v0  }
0x10c: {  	[tilespmem:$0x3850] =	vst v0  }
0x10d: {  	[tilespmem:$0x4050] =	vst v0  }
0x10e: {  	[tilespmem:$0x3860] =	vst v0  }
0x10f: {  	[tilespmem:$0x4060] =	vst v0  }
0x110: {  	[tilespmem:$0x3870] =	vst v0  }
0x111: {  	[tilespmem:$0x4070] =	vst v0  }
0x112: {  	_ =	swait.ge [sflag:s11], $0x1000  }
0x113: {  	[sflag:s11] =	ssyncset.done $0x0  }
0x114: {  	[sflag:s11] =	ssyncadd.s32 $0xFFFFF000  }
0x115: {  	_ =	swait.ge [sflag:s11], $0x1000  }
0x116: {  	[sflag:s11] =	ssyncset.done $0x0  }
0x117: {  	[sflag:s11] =	ssyncadd.s32 $0xFFFFF000  }
0x118: {  	_ =	swait.ge [sflag:s11], $0x1000  }
0x119: {  	[sflag:s11] =	ssyncset.done $0x0  }
0x11a: {  	[sflag:s11] =	ssyncadd.s32 $0xFFFFF000  }
0x11b: {  	v3 =	vld.idx.msk [tilespmem:v1+s10+$0x0], $0xffff;
	_ =	sdelay $0x4  }
0x11c: {  	s17 =	simm.s32 $0x1040;
	[tilespmem:$0x3000] =	vst v3  }
0x11d: {  	v3 =	vld [tilespmem:s17+$0x20]  }
0x11e: {  	s15 =	simm.s32 $0x1;
	v4 =	vld [tilespmem:s17+$0xFFFFFFD0]  }
0x11f: {  	v5 =	vadd.s32 s15, v2;
	v7 =	vld [tilespmem:s17+$0x30]  }
0x120: {  	v6 =	vld [tilespmem:s17+$0xFFFFFFC0]  }
0x121: {  	v9 =	vld [tilespmem:s17+$0x10]  }
0x122: {  	s16 =	simm.s32 $0x2040;
	v10 =	vld [tilespmem:s17+$0xFFFFFFF0]  }
0x123: {  	v11 =	vld [tilespmem:s16+$0x20]  }
0x124: {  	v8 =	vld.idx.msk [tilespmem:v5+s10+$0x0], $0xffff  }
0x125: {  	s25 =	simm.s32 $0x51;
	s15 =	simm.s32 $0x40;
	v12 =	vld [tilespmem:s16+$0xFFFFFFC0]  }
0x126: {  	v15 =	vadd.s32 s25, v2;
	v13 =	vld [tilespmem:s15+$0xFFFFFFC0]  }
0x127: {  	v14 =	vld [tilespmem:s15+$0xFFFFFFD0]  }
0x128: {  	s18 =	simm.s32 $0x11;
	v16 =	vld [tilespmem:s15+$0x20]  }
0x129: {  	v5 =	vadd.s32 s18, v2;
	v17 =	vld [tilespmem:s16+$0x10]  }
0x12a: {  	v19 =	vld [tilespmem:s16+$0xFFFFFFD0]  }
0x12b: {  	v15 =	vld.idx.msk [tilespmem:v15+s10+$0x0], $0xffff  }
0x12c: {  	v60 =	vld [tilespmem:s16+$0xFFFFFFF0]  }
0x12d: {  	s26 =	simm.s32 $0x31;
	v22 =	vld [tilespmem:s15+$0xFFFFFFF0]  }
0x12e: {  	s28 =	simm.s32 $0x41;
	v18 =	vld.idx.msk [tilespmem:v5+s10+$0x0], $0xffff;
	v5 =	vadd.s32 s26, v2;
	(xrf2) =	vadd.scan.msk.f32 $0xffff, v3  }
0x12f: {  	s29 =	simm.s32 $0x61;
	v24 =	vld [tilespmem:s17+$0x0];
	v3 =	vadd.s32 s28, v2;
	(xrf2) =	vadd.scan.msk.f32 $0xffff, v4  }
0x130: {  	v20 =	vadd.s32 s29, v2;
	v26 =	vld [tilespmem:s15+$0xFFFFFFE0];
	(xrf2) =	vadd.scan.msk.f32 $0xffff, v6  }
0x131: {  	v4 =	vld [tilespmem:s15+$0x0];
	(xrf2) =	vadd.scan.msk.f32 $0xffff, v13  }
0x132: {  	v6 =	vld [tilespmem:s15+$0x10];
	(xrf2) =	vadd.scan.msk.f32 $0xffff, v16  }
0x133: {  	s30 =	simm.s32 $0x71;
	v59 =	vld.idx.msk [tilespmem:v5+s10+$0x0], $0xffff;
	(xrf2) =	vadd.scan.msk.f32 $0xffff, v14  }
0x134: {  	s31 =	simm.s32 $0x21;
	v21 =	vld.idx.msk [tilespmem:v3+s10+$0x0], $0xffff;
	v3 =	vadd.s32 s30, v2  }
0x135: {  	vm2 =	vne.s32 v12, v8;
	v14 =	vld.idx.msk [tilespmem:v20+s10+$0x0], $0xffff;
	v5 =	vadd.s32 s31, v2  }
0x136: {  	v28 =	vld [tilespmem:s17+$0xFFFFFFE0];
	vm3 =	vmor vm2, vm0  }
0x137: {  	v61 =	vld [tilespmem:s15+$0x30];
	vm5 =	vne.s32 v19, v18  }
0x138: {  	v13 =	vld [tilespmem:s16+$0x0];
	vm7 =	vmor vm5, vm0;
	v23, _, _ =	vpop (xrf2);
	(xrf2) =	vadd.scan.msk.f32 $0xffff, v6  }
0x139: {  	vm4 =	vmand vm2, vm1;
	v3 =	vld.idx.msk [tilespmem:v3+s10+$0x0], $0xffff;
	v25, _, _ =	vpop (xrf2);
	(xrf2) =	vadd.scan.msk.f32 $0xffff, v4  }
0x13a: {  	vm11 =	vne.s32 v11, v14;
	v4 =	vld.idx.msk [tilespmem:v5+s10+$0x0], $0xffff;
	v27, _, _ =	vpop (xrf2)  }
0x13b: {  	v5 =	vld [tilespmem:s16+$0xFFFFFFE0];
	vm9 =	vmor vm11, vm0;
	v6, _, _ =	vpop (xrf2)  }
0x13c: {  	vm2 =	vmand vm5, vm1;
	(xrf2) =	vadd.scan.msk.f32 $0xffff, v10;
	[tilespmem:v12+s12+$0x0] =	vst.idx.add.f32.msk vm3, v6;
	v29, _, _ =	vpop (xrf2)  }
0x13d: {  	vm6 =	vne.s32 v17, v15;
	v10 =	vsub.f32 $0.0e+00, v6;
	v6 =	vld [tilespmem:s16+$0x30];
	v30, _, _ =	vpop (xrf2)  }
0x13e: {  	vm5 =	vmor vm6, vm0;
	vm10 =	vne.s32 v13, v21;
	[tilespmem:v19+s12+$0x0] =	vst.idx.add.f32.msk vm7, v30  }
0x13f: {  	vm8 =	vmor vm10, vm0;
	[tilespmem:v8+s12+$0x0] =	vst.idx.add.f32.msk vm4, v10;
	v10 =	vsub.f32 $0.0e+00, v30  }
0x140: {  	vm6 =	vmand vm6, vm1;
	(xrf2) =	vadd.scan.msk.f32 $0xffff, v22;
	[tilespmem:v12+s13+$0x0] =	vst.idx.add.f32.msk vm3, v27  }
0x141: {  	vm12 =	vmand vm10, vm1;
	[tilespmem:v11+s12+$0x0] =	vst.idx.add.f32.msk vm9, v29  }
0x142: {  	vm11 =	vmand vm11, vm1;
	[tilespmem:v18+s12+$0x0] =	vst.idx.add.f32.msk vm2, v10;
	v62, _, _ =	vpop (xrf2);
	(xrf2) =	vadd.scan.msk.f32 $0xffff, v24  }
0x143: {  	[tilespmem:v19+s13+$0x0] =	vst.idx.add.f32.msk vm7, v25;
	v10, _, _ =	vpop (xrf2);
	(xrf2) =	vadd.scan.msk.f32 $0xffff, v28  }
0x144: {  	v12 =	vsub.f32 $0.0e+00, v62;
	[tilespmem:v17+s12+$0x0] =	vst.idx.add.f32.msk vm5, v62  }
0x145: {  	vm3 =	vne.s32 v60, v59;
	[tilespmem:v13+s12+$0x0] =	vst.idx.add.f32.msk vm8, v10;
	v10 =	vsub.f32 $0.0e+00, v10  }
0x146: {  	vm15 =	vmor vm3, vm0;
	v63, _, _ =	vpop (xrf2);
	(xrf2) =	vadd.scan.msk.f32 $0xffff, v9;
	v9 =	vsub.f32 $0.0e+00, v29;
	[tilespmem:v15+s12+$0x0] =	vst.idx.add.f32.msk vm6, v12  }
0x147: {  	vm7 =	vmand vm3, vm1;
	[tilespmem:v21+s12+$0x0] =	vst.idx.add.f32.msk vm12, v10  }
0x148: {  	v12 =	vsub.f32 $0.0e+00, v25;
	[tilespmem:v14+s12+$0x0] =	vst.idx.add.f32.msk vm11, v9  }
0x149: {  	v9 =	vsub.f32 $0.0e+00, v23;
	[tilespmem:v11+s13+$0x0] =	vst.idx.add.f32.msk vm9, v23  }
0x14a: {  	[tilespmem:v18+s13+$0x0] =	vst.idx.add.f32.msk vm2, v12;
	v10, _, _ =	vpop (xrf2);
	(xrf2) =	vadd.scan.msk.f32 $0xffff, v26  }
0x14b: {  	[tilespmem:v14+s13+$0x0] =	vst.idx.add.f32.msk vm11, v9;
	v9 =	vsub.f32 $0.0e+00, v10  }
0x14c: {  	[tilespmem:v60+s12+$0x0] =	vst.idx.add.f32.msk vm15, v10;
	v11, _, _ =	vpop (xrf2)  }
0x14d: {  	[tilespmem:v59+s12+$0x0] =	vst.idx.add.f32.msk vm7, v9;
	v12, _, _ =	vpop (xrf2);
	(xrf2) =	vadd.scan.msk.f32 $0xffff, v61  }
0x14e: {  	v9 =	vsub.f32 $0.0e+00, v63;
	[tilespmem:v13+s13+$0x0] =	vst.idx.add.f32.msk vm8, v11;
	vm8 =	vne.s32 v5, v4  }
0x14f: {  	[tilespmem:v60+s13+$0x0] =	vst.idx.add.f32.msk vm15, v63;
	vm3 =	vmor vm8, vm0  }
0x150: {  	v11 =	vsub.f32 $0.0e+00, v11;
	[tilespmem:v59+s13+$0x0] =	vst.idx.add.f32.msk vm7, v9;
	v10, _, _ =	vpop (xrf2);
	(xrf2) =	vadd.scan.msk.f32 $0xffff, v7  }
0x151: {  	v9 =	vsub.f32 $0.0e+00, v10;
	[tilespmem:v17+s13+$0x0] =	vst.idx.add.f32.msk vm5, v10;
	vm5 =	vne.s32 v6, v3  }
0x152: {  	[tilespmem:v21+s13+$0x0] =	vst.idx.add.f32.msk vm12, v11;
	v11 =	vsub.f32 $0.0e+00, v27;
	vm2 =	vmand vm5, vm1;
	vm5 =	vmor vm5, vm0  }
0x153: {  	[tilespmem:v15+s13+$0x0] =	vst.idx.add.f32.msk vm6, v9  }
0x154: {  	s19 =	simm.s32 $0x20C0;
	[tilespmem:v8+s13+$0x0] =	vst.idx.add.f32.msk vm4, v11;
	v10, _, _ =	vpop (xrf2)  }
0x155: {  	s17 =	simm.s32 $0xF1;
	s18 =	simm.s32 $0x10C0;
	s16 =	simm.s32 $0x0;
	vm6 =	vmand vm8, vm1;
	v9 =	vsub.f32 $0.0e+00, v12;
	[tilespmem:v5+s12+$0x0] =	vst.idx.add.f32.msk vm3, v10  }
.LBB2_2:
0x156: {  	s20 =	sadd.s32 $0xFFFFFF90, s17;
	v8 =	vld [tilespmem:s18+$0x20];
	v13 =	vadd.s32 s17, v2;
	s16 =	sadd.s32 $0x8, s16;
	s15 =	sadd.s32 $0x80, s15  }
0x157: {  	v14 =	vadd.s32 s20, v2;
	s20 =	sadd.s32 $0xFFFFFFA0, s17;
	v15 =	vld [tilespmem:s18+$0xFFFFFFD0];
	p0 =	slt.u32 s16, $0xF8;
	v11, _, _ =	vpop (xrf2)  }
0x158: {  	v16 =	vadd.s32 s20, v2;
	s20 =	sadd.s32 $0xFFFFFFB0, s17;
	[tilespmem:v6+s12+$0x0] =	vst.idx.add.f32.msk vm5, v11  }
0x159: {  	v11 =	vsub.f32 $0.0e+00, v11;
	v17 =	vadd.s32 s20, v2;
	s20 =	sadd.s32 $0xFFFFFFC0, s17;
	v7 =	vld [tilespmem:s18+$0x30]  }
0x15a: {  	v18 =	vld [tilespmem:s18+$0xFFFFFFC0];
	v19 =	vadd.s32 s20, v2;
	s20 =	sadd.s32 $0xFFFFFFD0, s17;
	v20, _, _ =	vpop (xrf2)  }
0x15b: {  	v10 =	vsub.f32 $0.0e+00, v10;
	v21 =	vadd.s32 s20, v2;
	s20 =	sadd.s32 $0xFFFFFFE0, s17;
	[tilespmem:v3+s12+$0x0] =	vst.idx.add.f32.msk vm2, v11;
	v22 =	vsub.f32 $0.0e+00, v20  }
0x15c: {  	v23 =	vadd.s32 s20, v2;
	v11 =	vld [tilespmem:s18+$0x10];
	s20 =	sadd.s32 $0xFFFFFFF0, s17  }
0x15d: {  	v24 =	vadd.s32 s20, v2;
	[tilespmem:v4+s12+$0x0] =	vst.idx.add.f32.msk vm6, v10  }
0x15e: {  	[tilespmem:v6+s13+$0x0] =	vst.idx.add.f32.msk vm5, v20  }
0x15f: {  	v6 =	vld [tilespmem:s18+$0xFFFFFFF0]  }
0x160: {  	[tilespmem:v5+s13+$0x0] =	vst.idx.add.f32.msk vm3, v12  }
0x161: {  	[tilespmem:v4+s13+$0x0] =	vst.idx.add.f32.msk vm6, v9  }
0x162: {  	(xrf2) =	vadd.scan.msk.f32 $0xffff, v8;
	[tilespmem:v3+s13+$0x0] =	vst.idx.add.f32.msk vm2, v22  }
0x163: {  	v12 =	vld [tilespmem:s19+$0x20]  }
0x164: {  	v8 =	vld.idx.msk [tilespmem:v14+s10+$0x0], $0xffff  }
0x165: {  	v14 =	vld [tilespmem:s19+$0xFFFFFFC0];
	(xrf2) =	vadd.scan.msk.f32 $0xffff, v15  }
0x166: {  	v3 =	vld [tilespmem:s15+$0xFFFFFFC0]  }
0x167: {  	v4 =	vld [tilespmem:s15+$0xFFFFFFD0]  }
0x168: {  	v5 =	vld [tilespmem:s15+$0x20];
	(xrf2) =	vadd.scan.msk.f32 $0xffff, v18  }
0x169: {  	v9 =	vld [tilespmem:s19+$0x10]  }
0x16a: {  	v15 =	vld.idx.msk [tilespmem:v16+s10+$0x0], $0xffff  }
0x16b: {  	v16 =	vld [tilespmem:s19+$0xFFFFFFD0];
	(xrf2) =	vadd.scan.msk.f32 $0xffff, v3  }
0x16c: {  	v18 =	vld [tilespmem:s15+$0x0];
	v20, _, _ =	vpop (xrf2)  }
0x16d: {  	v10 =	vld.idx.msk [tilespmem:v23+s10+$0x0], $0xffff  }
0x16e: {  	v22 =	vld [tilespmem:s19+$0x0];
	(xrf2) =	vadd.scan.msk.f32 $0xffff, v5  }
0x16f: {  	v3 =	vld [tilespmem:s15+$0x10];
	v23, _, _ =	vpop (xrf2)  }
0x170: {  	vm3 =	vne.s32 v16, v15;
	v19 =	vld.idx.msk [tilespmem:v19+s10+$0x0], $0xffff  }
0x171: {  	vm4 =	vne.s32 v14, v8;
	v21 =	vld.idx.msk [tilespmem:v21+s10+$0x0], $0xffff;
	(xrf2) =	vadd.scan.msk.f32 $0xffff, v4  }
0x172: {  	v24 =	vld.idx.msk [tilespmem:v24+s10+$0x0], $0xffff;
	v25, _, _ =	vpop (xrf2)  }
0x173: {  	vm5 =	vmor vm4, vm0;
	vm8 =	vne.s32 v9, v10;
	v26 =	vld [tilespmem:s19+$0xFFFFFFF0]  }
0x174: {  	v27 =	vld [tilespmem:s15+$0xFFFFFFF0];
	(xrf2) =	vadd.scan.msk.f32 $0xffff, v3  }
0x175: {  	v28 =	vld [tilespmem:s18+$0x0];
	v29, _, _ =	vpop (xrf2)  }
0x176: {  	vm2 =	vmor vm3, vm0;
	v30 =	vld [tilespmem:s15+$0xFFFFFFE0]  }
0x177: {  	vm13 =	vne.s32 v22, v21;
	v3 =	vld.idx.msk [tilespmem:v13+s10+$0x0], $0xffff;
	(xrf2) =	vadd.scan.msk.f32 $0xffff, v18  }
0x178: {  	vm4 =	vmand vm4, vm1;
	vm14 =	vne.s32 v12, v24;
	v13 =	vld [tilespmem:s18+$0xFFFFFFE0];
	v18, _, _ =	vpop (xrf2)  }
0x179: {  	vm10 =	vne.s32 v26, v19;
	[tilespmem:v14+s12+$0x0] =	vst.idx.add.f32.msk vm5, v29;
	v31 =	vsub.f32 $0.0e+00, v18  }
0x17a: {  	v4 =	vld.idx.msk [tilespmem:v17+s10+$0x0], $0xffff;
	(xrf2) =	vadd.scan.msk.f32 $0xffff, v6  }
0x17b: {  	vm6 =	vmand vm3, vm1;
	v5 =	vld [tilespmem:s19+$0xFFFFFFE0];
	v17, _, _ =	vpop (xrf2)  }
0x17c: {  	vm7 =	vmor vm8, vm0;
	vm3 =	vmor vm13, vm0;
	v29 =	vsub.f32 $0.0e+00, v29;
	[tilespmem:v16+s12+$0x0] =	vst.idx.add.f32.msk vm2, v17  }
0x17d: {  	vm12 =	vmor vm14, vm0;
	v6 =	vld [tilespmem:s19+$0x30];
	(xrf2) =	vadd.scan.msk.f32 $0xffff, v27  }
0x17e: {  	[tilespmem:v8+s12+$0x0] =	vst.idx.add.f32.msk vm4, v29;
	v27, _, _ =	vpop (xrf2)  }
0x17f: {  	vm8 =	vmand vm8, vm1;
	vm9 =	vmor vm10, vm0;
	v17 =	vsub.f32 $0.0e+00, v17;
	v29 =	vld [tilespmem:s15+$0x30]  }
0x180: {  	[tilespmem:v14+s13+$0x0] =	vst.idx.add.f32.msk vm5, v25;
	(xrf2) =	vadd.scan.msk.f32 $0xffff, v28  }
0x181: {  	vm13 =	vmand vm13, vm1;
	vm10 =	vmand vm10, vm1;
	vm11 =	vne.s32 v5, v4;
	[tilespmem:v15+s12+$0x0] =	vst.idx.add.f32.msk vm6, v17;
	v14, _, _ =	vpop (xrf2)  }
0x182: {  	[tilespmem:v22+s12+$0x0] =	vst.idx.add.f32.msk vm3, v14  }
0x183: {  	vm14 =	vmand vm14, vm1;
	[tilespmem:v12+s12+$0x0] =	vst.idx.add.f32.msk vm12, v18;
	(xrf2) =	vadd.scan.msk.f32 $0xffff, v13  }
0x184: {  	v13 =	vsub.f32 $0.0e+00, v27;
	[tilespmem:v16+s13+$0x0] =	vst.idx.add.f32.msk vm2, v23;
	v16, _, _ =	vpop (xrf2)  }
0x185: {  	v14 =	vsub.f32 $0.0e+00, v14;
	[tilespmem:v9+s12+$0x0] =	vst.idx.add.f32.msk vm7, v27  }
0x186: {  	[tilespmem:v10+s12+$0x0] =	vst.idx.add.f32.msk vm8, v13;
	(xrf2) =	vadd.scan.msk.f32 $0xffff, v11  }
0x187: {  	vm5 =	vne.s32 v6, v3;
	[tilespmem:v21+s12+$0x0] =	vst.idx.add.f32.msk vm13, v14;
	v11, _, _ =	vpop (xrf2)  }
0x188: {  	vm2 =	vmand vm5, vm1;
	[tilespmem:v26+s12+$0x0] =	vst.idx.add.f32.msk vm9, v11  }
0x189: {  	[tilespmem:v24+s12+$0x0] =	vst.idx.add.f32.msk vm14, v31;
	(xrf2) =	vadd.scan.msk.f32 $0xffff, v30  }
0x18a: {  	v17 =	vsub.f32 $0.0e+00, v20;
	vm5 =	vmor vm5, vm0;
	[tilespmem:v12+s13+$0x0] =	vst.idx.add.f32.msk vm12, v20;
	v13, _, _ =	vpop (xrf2)  }
0x18b: {  	[tilespmem:v22+s13+$0x0] =	vst.idx.add.f32.msk vm3, v13;
	v13 =	vsub.f32 $0.0e+00, v13  }
0x18c: {  	v14 =	vsub.f32 $0.0e+00, v23;
	[tilespmem:v24+s13+$0x0] =	vst.idx.add.f32.msk vm14, v17  }
0x18d: {  	v11 =	vsub.f32 $0.0e+00, v11;
	vm3 =	vmor vm11, vm0;
	[tilespmem:v21+s13+$0x0] =	vst.idx.add.f32.msk vm13, v13;
	v12, _, _ =	vpop (xrf2);
	(xrf2) =	vadd.scan.msk.f32 $0xffff, v29  }
0x18e: {  	[tilespmem:v15+s13+$0x0] =	vst.idx.add.f32.msk vm6, v14  }
0x18f: {  	vm6 =	vmand vm11, vm1;
	[tilespmem:v19+s12+$0x0] =	vst.idx.add.f32.msk vm10, v11;
	v11 =	vsub.f32 $0.0e+00, v16  }
0x190: {  	[tilespmem:v26+s13+$0x0] =	vst.idx.add.f32.msk vm9, v16;
	v13, _, _ =	vpop (xrf2);
	(xrf2) =	vadd.scan.msk.f32 $0xffff, v7  }
.Ltmp0:
0x191: {  	[tilespmem:v19+s13+$0x0] =	vst.idx.add.f32.msk vm10, v11;
	v7 =	vsub.f32 $0.0e+00, v13;
	(pc) =	sbr.rel @p0 .LBB2_2-.Ltmp0, $4  }
0x192: {  	v11 =	vsub.f32 $0.0e+00, v25;
	[tilespmem:v9+s13+$0x0] =	vst.idx.add.f32.msk vm7, v13  }
0x193: {  	v9 =	vsub.f32 $0.0e+00, v12;
	[tilespmem:v10+s13+$0x0] =	vst.idx.add.f32.msk vm8, v7;
	v10, _, _ =	vpop (xrf2)  }
0x194: {  	[tilespmem:v5+s12+$0x0] =	vst.idx.add.f32.msk vm3, v10  }
0x195: {  	s17 =	sadd.s32 $0x80, s17;
	s18 =	sadd.s32 $0x80, s18;
	s19 =	sadd.s32 $0x80, s19;
	[tilespmem:v8+s13+$0x0] =	vst.idx.add.f32.msk vm4, v11  }
0x196: {  	_ =	sdelay $0x3  }
0x197: {  	v61 =	vsub.f32 $0.0e+00, v10;
	v7, _, _ =	vpop (xrf2)  }
0x198: {  	[tilespmem:v6+s12+$0x0] =	vst.idx.add.f32.msk vm5, v7  }
0x199: {  	v8 =	vsub.f32 $0.0e+00, v7;
	[tilespmem:v4+s12+$0x0] =	vst.idx.add.f32.msk vm6, v61  }
0x19a: {  	[tilespmem:v5+s13+$0x0] =	vst.idx.add.f32.msk vm3, v12  }
0x19b: {  	[tilespmem:v3+s12+$0x0] =	vst.idx.add.f32.msk vm2, v8;
	v62, _, _ =	vpop (xrf2)  }
0x19c: {  	[tilespmem:v4+s13+$0x0] =	vst.idx.add.f32.msk vm6, v9;
	v63 =	vsub.f32 $0.0e+00, v62  }
0x19d: {  	[tilespmem:v6+s13+$0x0] =	vst.idx.add.f32.msk vm5, v62  }
0x19e: {  	[tilespmem:v3+s13+$0x0] =	vst.idx.add.f32.msk vm2, v63  }
0x19f: {  	[hbm4b:s6+s2] =	stream.linear.scatter [tilespmem:s12], [sflag:$0x1], $0x800, $0x38;
	[tilespmem:$0x4080] =	vst v63  }
0x1a0: {  	s14 =	sadd.s32 $0x1, s14  }
0x1a1: {  	[hbm4b:s7+s2] =	stream.linear.scatter [tilespmem:s13], [sflag:$0x1], $0x800, $0x38;
	[tilespmem:$0x4080] =	vst v63  }
0x1a2: {  	p0 =	sne.s32 s14, s8;
	_ =	swait.ge [sflag:s11], $0x800  }
.Ltmp1:
0x1a3: {  	[sflag:s11] =	ssyncset.done $0x0;
	(pc) =	sbr.rel @p0 .LBB2_1-.Ltmp1, $4  }
0x1a4: {  	[sflag:s11] =	ssyncadd.s32 $0xFFFFF800  }
0x1a5: {  	_ =	swait.ge [sflag:s11], $0x800  }
0x1a6: {  	[sflag:s11] =	ssyncset.done $0x0  }
0x1a7: {  	[sflag:s11] =	ssyncadd.s32 $0xFFFFF800  }
0x1a8: {  	_ =	sfence.sel $0x180000  }
0x1a9: {  	[bflag:$0x0] =	sbarrier.arrive $0xFFFF  }
0x1aa: {  	p0 =	sne.s32 s1, $0x0;
	_ =	strace $0x90000047  }
0x1ab: {  	s0 =	sadd.s32 @!p0 $0x100000, s0;
	[bflag:$0x2] =	sbarrier.arrive $0xFFFF  }
0x1ac: {  	[sflag:s0] =	ssyncadd.tile.s32 @!p0 $0x1;
	_ =	shalt  }
.Lfunc_end2:
_tile_overlayer_lowered:
.L_overlay_start_2:
0x1ad: {  	(tag) =	ssettag $0x2  }
0x1ae: {  	s0 =	rddreg [dreg:$0x0];
	s2 =	stileid.u32  }
0x1af: {  	s1 =	rddreg [dreg:$0x1];
	p0 =	sne.s32 s2, $0x0  }
0x1b0: {  	s3 =	rddreg [dreg:$0x2];
	[bflag:$0x3] =	sbarrier.arrive $0xFFFF;
	s2 =	simm.s32 @!p0 $0x1C02  }
0x1b1: {  	[timem:s3], [sflag:s2] =	dma.local @!p0 [hbm:s0], s1  }
0x1b2: {  	s0 =	simm.s32 @!p0 $0x2  }
0x1b3: {  	_ =	swait.ge @!p0 [sflag:s0], s1  }
0x1b4: {  	s1 =	ssub.s32 @!p0 $0x0, s1;
	[sflag:s0] =	ssyncset.done @!p0 $0x0  }
0x1b5: {  	[sflag:s0] =	ssyncadd.s32 @!p0 s1  }
0x1b6: {  	[bflag:$0x3] =	sbarrier.arrive $0xFFFF  }
0x1b7: {  	_ =	shalt  }

</sc_bundles>
